<compile_context>
chip_gen: v7x
topology: tpu7x:2x2x1
jax: 0.10.2.dev20260603
libtpu: 0.0.44.dev20260713+nightly
codegen_flags: <defaults>
</compile_context>

<pallas_src>
import functools

import jax
import jax.numpy as jnp
from jax import lax
from jax.experimental import pallas as pl
from jax.experimental.pallas import tpu as pltpu
from jax.experimental.pallas import tpu_sc as plsc

_BATCH = 16384
_NC = 1
_NS = 16
_NW = _NC * _NS
_L = 16
_B_PER_W = _BATCH // _NW
_CHUNK = 128
_NCHUNK = _B_PER_W // _CHUNK
_NGROUP = 4

_mesh = plsc.VectorSubcoreMesh(core_axis_name="c", subcore_axis_name="s",
                               num_cores=_NC)


@functools.partial(
    pl.kernel,
    mesh=_mesh,
    out_type=jax.ShapeDtypeStruct((_NW, _NCHUNK, _CHUNK), jnp.float32),
    scratch_types=[
        pltpu.VMEM((_NCHUNK, _CHUNK), jnp.int32),
        pltpu.VMEM((_NCHUNK, _CHUNK), jnp.int32),
        pltpu.VMEM((_NCHUNK, _CHUNK), jnp.float32),
        pltpu.VMEM((_NCHUNK, _CHUNK), jnp.float32),
        pltpu.VMEM((_L,), jnp.float32),
        pltpu.SemaphoreType.DMA,
        pltpu.SemaphoreType.DMA,
        pltpu.SemaphoreType.DMA,
        pltpu.SemaphoreType.DMA,
        pltpu.SemaphoreType.DMA,
        pltpu.SemaphoreType.DMA,
    ],
)
def _mean_model_sc(uid_hbm, mid_hbm, utab_hbm, mtab_hbm, mean_hbm, out_hbm,
                   uidx_v, midx_v, u_v, m_v, mean_v,
                   sem, gsem0, gsem1, gsem2, gsem3, osem):
    wid = lax.axis_index("s") * _NC + lax.axis_index("c")
    gsems = (gsem0, gsem1, gsem2, gsem3)
    per_g = _NCHUNK // _NGROUP

    cp_mean = pltpu.async_copy(mean_hbm, mean_v, sem)
    cp_uid = pltpu.async_copy(uid_hbm.at[wid], uidx_v, sem)
    cp_mid = pltpu.async_copy(mid_hbm.at[wid], midx_v, sem)

    cp_uid.wait()
    cp_mid.wait()
    gath = [[] for _ in range(_NGROUP)]
    for g in range(_NGROUP):
        for j in range(g * per_g, (g + 1) * per_g):
            gath[g].append(
                pltpu.async_copy(utab_hbm.at[uidx_v.at[j]], u_v.at[j], gsems[g]))
            gath[g].append(
                pltpu.async_copy(mtab_hbm.at[midx_v.at[j]], m_v.at[j], gsems[g]))
    cp_mean.wait()
    mean_vec = mean_v[...]

    outs = []
    for g in range(_NGROUP):
        for c in gath[g]:
            c.wait()
        for j in range(g * per_g, (g + 1) * per_g):
            for i in range(_CHUNK // _L):
                sl = pl.ds(i * _L, _L)
                u_v[j, sl] = u_v[j, sl] + m_v[j, sl] + mean_vec
        outs.append(pltpu.async_copy(u_v.at[pl.ds(g * per_g, per_g)],
                                     out_hbm.at[wid, pl.ds(g * per_g, per_g)],
                                     osem))
    for c in outs:
        c.wait()


def kernel(userId, movieId, user_table, movie_table, mean):
    uid3 = userId.astype(jnp.int32).reshape(_NW, _NCHUNK, _CHUNK)
    mid3 = movieId.astype(jnp.int32).reshape(_NW, _NCHUNK, _CHUNK)
    mean16 = jnp.broadcast_to(mean.astype(jnp.float32), (_L,))
    out = _mean_model_sc(uid3, mid3, user_table, movie_table, mean16)
    return out.reshape(_BATCH)

# --- scband reference (transcript-rebuilt; emitter-appended) ---
"""Pipeline reference for scband-mean-model-57088705298524 (READ-ONLY COPY).

The authoritative reference and input builder live on the scoring server;
editing this copy changes nothing except your own understanding.
"""

import jax, jax.numpy as jnp
import numpy as np

USER_VOCAB = 1000000
MOVIE_VOCAB = 100000
BATCH = 16384
GLOBAL_MEAN = 3.5

def setup_inputs(seed: int = 0) -> dict:
    key = jax.random.key(seed)
    k1, k2, k3, k4 = jax.random.split(key, 4)
    userId = jax.random.randint(k1, (BATCH,), 0, USER_VOCAB, dtype=jnp.int64 if jax.config.jax_enable_x64 else jnp.int32)
    movieId = jax.random.randint(k2, (BATCH,), 0, MOVIE_VOCAB, dtype=jnp.int64 if jax.config.jax_enable_x64 else jnp.int32)
    # Learned per-id mean tables (the user_mean_model / movie_mean_model submodules
    # are scalar embedding lookups: id -> learned mean offset).
    user_table = jax.random.normal(k3, (USER_VOCAB,), dtype=jnp.float32) * 0.1
    movie_table = jax.random.normal(k4, (MOVIE_VOCAB,), dtype=jnp.float32) * 0.1
    mean = jnp.array([GLOBAL_MEAN], dtype=jnp.float32)
    return {"userId": userId, "movieId": movieId, "user_table": user_table, "movie_table": movie_table, "mean": mean}

def reference(userId, movieId, user_table, movie_table, mean):
    # MeanModel.call: mean + user_mean_model(userId) + movie_mean_model(movieId)
    user_mean = jnp.take(user_table, userId, axis=0)
    movie_mean = jnp.take(movie_table, movieId, axis=0)
    return mean + user_mean + movie_mean

if __name__ == "__main__":
    import jax
    _d = setup_inputs()
    print(jax.jit(kernel)(*tuple(_d.values())))

</pallas_src>

<mosaic_0001>
#map = affine_map<(d0, d1) -> (0, 0, 0)>
#map1 = affine_map<(d0, d1) -> (0)>
module attributes {stable_mosaic.version = 14 : i64} {
  func.func @_mean_model_sc(%arg0: i32, %arg1: i32, %arg2: memref<16x8x128xi32, #tpu.memory_space<hbm>>, %arg3: memref<16x8x128xi32, #tpu.memory_space<hbm>>, %arg4: memref<1000000xf32, #tpu.memory_space<hbm>>, %arg5: memref<100000xf32, #tpu.memory_space<hbm>>, %arg6: memref<16xf32, #tpu.memory_space<hbm>>, %arg7: memref<16x8x128xf32, #tpu.memory_space<hbm>>, %arg8: memref<8x128xi32, #tpu.memory_space<vmem>>, %arg9: memref<8x128xi32, #tpu.memory_space<vmem>>, %arg10: memref<8x128xf32, #tpu.memory_space<vmem>>, %arg11: memref<8x128xf32, #tpu.memory_space<vmem>>, %arg12: memref<16xf32, #tpu.memory_space<vmem>>, %arg13: memref<!tpu.dma_semaphore, #tpu.memory_space<semaphore_mem>>, %arg14: memref<!tpu.dma_semaphore, #tpu.memory_space<semaphore_mem>>, %arg15: memref<!tpu.dma_semaphore, #tpu.memory_space<semaphore_mem>>, %arg16: memref<!tpu.dma_semaphore, #tpu.memory_space<semaphore_mem>>, %arg17: memref<!tpu.dma_semaphore, #tpu.memory_space<semaphore_mem>>, %arg18: memref<!tpu.dma_semaphore, #tpu.memory_space<semaphore_mem>>) attributes {dimension_semantics = [#tpu.dimension_semantics<core_parallel>, #tpu.dimension_semantics<subcore_parallel>], iteration_bounds = array<i64: 1, 16>, scalar_prefetch = 0 : i64, scratch_operands = 11 : i64, tpu.core_type = #tpu.core_type<sc_vector_subcore>, window_params = [{transform_indices = #map}, {transform_indices = #map}, {transform_indices = #map1}, {transform_indices = #map1}, {transform_indices = #map1}, {transform_indices = #map}]} {
    %mul3A = arith.constant 1 : i32
    %mul3A_0 = arith.muli %arg1, %mul3A : i32
    %add3A = arith.addi %mul3A_0, %arg0 : i32
    tpu.enqueue_dma source(%arg6 : memref<16xf32, #tpu.memory_space<hbm>>) target(%arg12 : memref<16xf32, #tpu.memory_space<vmem>>) target_semaphore(%arg13 : memref<!tpu.dma_semaphore, #tpu.memory_space<semaphore_mem>>)
    %dma_start3A = arith.constant 0 : i32
    %dma_start3A_1 = arith.constant 0 : i32
    %dma_start3A_2 = tpu.memref_slice %arg2[%add3A, %dma_start3A, %dma_start3A_1] : memref<16x8x128xi32, #tpu.memory_space<hbm>> -> memref<1x8x128xi32, #tpu.memory_space<hbm>>
    %dma_start3A_3 = tpu.memref_squeeze %dma_start3A_2 : memref<1x8x128xi32, #tpu.memory_space<hbm>> -> memref<8x128xi32, #tpu.memory_space<hbm>>
    %dma_start3A_4 = arith.constant 0 : i32
    %dma_start3A_5 = arith.constant 0 : i32
    %dma_start3A_6 = tpu.memref_slice %arg2[%add3A, %dma_start3A_4, %dma_start3A_5] : memref<16x8x128xi32, #tpu.memory_space<hbm>> -> memref<1x8x128xi32, #tpu.memory_space<hbm>>
    %dma_start3A_7 = tpu.memref_squeeze %dma_start3A_6 : memref<1x8x128xi32, #tpu.memory_space<hbm>> -> memref<8x128xi32, #tpu.memory_space<hbm>>
    tpu.enqueue_dma source(%dma_start3A_7 : memref<8x128xi32, #tpu.memory_space<hbm>>) target(%arg8 : memref<8x128xi32, #tpu.memory_space<vmem>>) target_semaphore(%arg13 : memref<!tpu.dma_semaphore, #tpu.memory_space<semaphore_mem>>)
    %dma_start3A_8 = arith.constant 0 : i32
    %dma_start3A_9 = arith.constant 0 : i32
    %dma_start3A_10 = tpu.memref_slice %arg3[%add3A, %dma_start3A_8, %dma_start3A_9] : memref<16x8x128xi32, #tpu.memory_space<hbm>> -> memref<1x8x128xi32, #tpu.memory_space<hbm>>
    %dma_start3A_11 = tpu.memref_squeeze %dma_start3A_10 : memref<1x8x128xi32, #tpu.memory_space<hbm>> -> memref<8x128xi32, #tpu.memory_space<hbm>>
    %dma_start3A_12 = arith.constant 0 : i32
    %dma_start3A_13 = arith.constant 0 : i32
    %dma_start3A_14 = tpu.memref_slice %arg3[%add3A, %dma_start3A_12, %dma_start3A_13] : memref<16x8x128xi32, #tpu.memory_space<hbm>> -> memref<1x8x128xi32, #tpu.memory_space<hbm>>
    %dma_start3A_15 = tpu.memref_squeeze %dma_start3A_14 : memref<1x8x128xi32, #tpu.memory_space<hbm>> -> memref<8x128xi32, #tpu.memory_space<hbm>>
    tpu.enqueue_dma source(%dma_start3A_15 : memref<8x128xi32, #tpu.memory_space<hbm>>) target(%arg9 : memref<8x128xi32, #tpu.memory_space<vmem>>) target_semaphore(%arg13 : memref<!tpu.dma_semaphore, #tpu.memory_space<semaphore_mem>>)
    %dma_wait3A = arith.constant 0 : i32
    %dma_wait3A_16 = arith.constant 0 : i32
    %dma_wait3A_17 = tpu.memref_slice %arg2[%add3A, %dma_wait3A, %dma_wait3A_16] : memref<16x8x128xi32, #tpu.memory_space<hbm>> -> memref<1x8x128xi32, #tpu.memory_space<hbm>>
    %dma_wait3A_18 = tpu.memref_squeeze %dma_wait3A_17 : memref<1x8x128xi32, #tpu.memory_space<hbm>> -> memref<8x128xi32, #tpu.memory_space<hbm>>
    %dma_wait3A_19 = arith.constant 0 : i32
    %dma_wait3A_20 = arith.constant 0 : i32
    %dma_wait3A_21 = tpu.memref_slice %arg2[%add3A, %dma_wait3A_19, %dma_wait3A_20] : memref<16x8x128xi32, #tpu.memory_space<hbm>> -> memref<1x8x128xi32, #tpu.memory_space<hbm>>
    %dma_wait3A_22 = tpu.memref_squeeze %dma_wait3A_21 : memref<1x8x128xi32, #tpu.memory_space<hbm>> -> memref<8x128xi32, #tpu.memory_space<hbm>>
    tpu.wait_dma2 semaphore(%arg13 : memref<!tpu.dma_semaphore, #tpu.memory_space<semaphore_mem>>) src(%dma_wait3A_22 : memref<8x128xi32, #tpu.memory_space<hbm>>) dst(%arg8 : memref<8x128xi32, #tpu.memory_space<vmem>>)
    %dma_wait3A_23 = arith.constant 0 : i32
    %dma_wait3A_24 = arith.constant 0 : i32
    %dma_wait3A_25 = tpu.memref_slice %arg3[%add3A, %dma_wait3A_23, %dma_wait3A_24] : memref<16x8x128xi32, #tpu.memory_space<hbm>> -> memref<1x8x128xi32, #tpu.memory_space<hbm>>
    %dma_wait3A_26 = tpu.memref_squeeze %dma_wait3A_25 : memref<1x8x128xi32, #tpu.memory_space<hbm>> -> memref<8x128xi32, #tpu.memory_space<hbm>>
    %dma_wait3A_27 = arith.constant 0 : i32
    %dma_wait3A_28 = arith.constant 0 : i32
    %dma_wait3A_29 = tpu.memref_slice %arg3[%add3A, %dma_wait3A_27, %dma_wait3A_28] : memref<16x8x128xi32, #tpu.memory_space<hbm>> -> memref<1x8x128xi32, #tpu.memory_space<hbm>>
    %dma_wait3A_30 = tpu.memref_squeeze %dma_wait3A_29 : memref<1x8x128xi32, #tpu.memory_space<hbm>> -> memref<8x128xi32, #tpu.memory_space<hbm>>
    tpu.wait_dma2 semaphore(%arg13 : memref<!tpu.dma_semaphore, #tpu.memory_space<semaphore_mem>>) src(%dma_wait3A_30 : memref<8x128xi32, #tpu.memory_space<hbm>>) dst(%arg9 : memref<8x128xi32, #tpu.memory_space<vmem>>)
    %dma_start3A_31 = arith.constant 0 : i32
    %dma_start3A_32 = arith.constant 0 : i32
    %dma_start3A_33 = arith.constant 0 : i32
    %dma_start3A_34 = tpu.memref_slice %arg10[%dma_start3A_32, %dma_start3A_33] : memref<8x128xf32, #tpu.memory_space<vmem>> -> memref<1x128xf32, #tpu.memory_space<vmem>>
    %dma_start3A_35 = tpu.memref_squeeze %dma_start3A_34 : memref<1x128xf32, #tpu.memory_space<vmem>> -> memref<128xf32, #tpu.memory_space<vmem>>
    %dma_start3A_36 = arith.constant 0 : i32
    %dma_start3A_37 = tpu.memref_slice %arg8[%dma_start3A_31, %dma_start3A_36] : memref<8x128xi32, #tpu.memory_space<vmem>> -> memref<1x128xi32, #tpu.memory_space<vmem>>
    %dma_start3A_38 = tpu.memref_squeeze %dma_start3A_37 : memref<1x128xi32, #tpu.memory_space<vmem>> -> memref<128xi32, #tpu.memory_space<vmem>>
    %dma_start3A_39 = arith.constant 0 : i32
    %dma_start3A_40 = tpu.memref_slice %arg4[%dma_start3A_39] : memref<1000000xf32, #tpu.memory_space<hbm>> -> memref<1000000xf32, #tpu.memory_space<hbm>>
    tpu.enqueue_indirect_dma source(%dma_start3A_40 : memref<1000000xf32, #tpu.memory_space<hbm>>) target(%dma_start3A_35 : memref<128xf32, #tpu.memory_space<vmem>>) offsets(%dma_start3A_38 : memref<128xi32, #tpu.memory_space<vmem>>) semaphore(%arg14 : memref<!tpu.dma_semaphore, #tpu.memory_space<semaphore_mem>>)
    %dma_start3A_41 = arith.constant 0 : i32
    %dma_start3A_42 = arith.constant 0 : i32
    %dma_start3A_43 = arith.constant 0 : i32
    %dma_start3A_44 = tpu.memref_slice %arg11[%dma_start3A_42, %dma_start3A_43] : memref<8x128xf32, #tpu.memory_space<vmem>> -> memref<1x128xf32, #tpu.memory_space<vmem>>
    %dma_start3A_45 = tpu.memref_squeeze %dma_start3A_44 : memref<1x128xf32, #tpu.memory_space<vmem>> -> memref<128xf32, #tpu.memory_space<vmem>>
    %dma_start3A_46 = arith.constant 0 : i32
    %dma_start3A_47 = tpu.memref_slice %arg9[%dma_start3A_41, %dma_start3A_46] : memref<8x128xi32, #tpu.memory_space<vmem>> -> memref<1x128xi32, #tpu.memory_space<vmem>>
    %dma_start3A_48 = tpu.memref_squeeze %dma_start3A_47 : memref<1x128xi32, #tpu.memory_space<vmem>> -> memref<128xi32, #tpu.memory_space<vmem>>
    %dma_start3A_49 = arith.constant 0 : i32
    %dma_start3A_50 = tpu.memref_slice %arg5[%dma_start3A_49] : memref<100000xf32, #tpu.memory_space<hbm>> -> memref<100000xf32, #tpu.memory_space<hbm>>
    tpu.enqueue_indirect_dma source(%dma_start3A_50 : memref<100000xf32, #tpu.memory_space<hbm>>) target(%dma_start3A_45 : memref<128xf32, #tpu.memory_space<vmem>>) offsets(%dma_start3A_48 : memref<128xi32, #tpu.memory_space<vmem>>) semaphore(%arg14 : memref<!tpu.dma_semaphore, #tpu.memory_space<semaphore_mem>>)
    %dma_start3A_51 = arith.constant 1 : i32
    %dma_start3A_52 = arith.constant 1 : i32
    %dma_start3A_53 = arith.constant 0 : i32
    %dma_start3A_54 = tpu.memref_slice %arg10[%dma_start3A_52, %dma_start3A_53] : memref<8x128xf32, #tpu.memory_space<vmem>> -> memref<1x128xf32, #tpu.memory_space<vmem>>
    %dma_start3A_55 = tpu.memref_squeeze %dma_start3A_54 : memref<1x128xf32, #tpu.memory_space<vmem>> -> memref<128xf32, #tpu.memory_space<vmem>>
    %dma_start3A_56 = arith.constant 0 : i32
    %dma_start3A_57 = tpu.memref_slice %arg8[%dma_start3A_51, %dma_start3A_56] : memref<8x128xi32, #tpu.memory_space<vmem>> -> memref<1x128xi32, #tpu.memory_space<vmem>>
    %dma_start3A_58 = tpu.memref_squeeze %dma_start3A_57 : memref<1x128xi32, #tpu.memory_space<vmem>> -> memref<128xi32, #tpu.memory_space<vmem>>
    %dma_start3A_59 = arith.constant 0 : i32
    %dma_start3A_60 = tpu.memref_slice %arg4[%dma_start3A_59] : memref<1000000xf32, #tpu.memory_space<hbm>> -> memref<1000000xf32, #tpu.memory_space<hbm>>
    tpu.enqueue_indirect_dma source(%dma_start3A_60 : memref<1000000xf32, #tpu.memory_space<hbm>>) target(%dma_start3A_55 : memref<128xf32, #tpu.memory_space<vmem>>) offsets(%dma_start3A_58 : memref<128xi32, #tpu.memory_space<vmem>>) semaphore(%arg14 : memref<!tpu.dma_semaphore, #tpu.memory_space<semaphore_mem>>)
    %dma_start3A_61 = arith.constant 1 : i32
    %dma_start3A_62 = arith.constant 1 : i32
    %dma_start3A_63 = arith.constant 0 : i32
    %dma_start3A_64 = tpu.memref_slice %arg11[%dma_start3A_62, %dma_start3A_63] : memref<8x128xf32, #tpu.memory_space<vmem>> -> memref<1x128xf32, #tpu.memory_space<vmem>>
    %dma_start3A_65 = tpu.memref_squeeze %dma_start3A_64 : memref<1x128xf32, #tpu.memory_space<vmem>> -> memref<128xf32, #tpu.memory_space<vmem>>
    %dma_start3A_66 = arith.constant 0 : i32
    %dma_start3A_67 = tpu.memref_slice %arg9[%dma_start3A_61, %dma_start3A_66] : memref<8x128xi32, #tpu.memory_space<vmem>> -> memref<1x128xi32, #tpu.memory_space<vmem>>
    %dma_start3A_68 = tpu.memref_squeeze %dma_start3A_67 : memref<1x128xi32, #tpu.memory_space<vmem>> -> memref<128xi32, #tpu.memory_space<vmem>>
    %dma_start3A_69 = arith.constant 0 : i32
    %dma_start3A_70 = tpu.memref_slice %arg5[%dma_start3A_69] : memref<100000xf32, #tpu.memory_space<hbm>> -> memref<100000xf32, #tpu.memory_space<hbm>>
    tpu.enqueue_indirect_dma source(%dma_start3A_70 : memref<100000xf32, #tpu.memory_space<hbm>>) target(%dma_start3A_65 : memref<128xf32, #tpu.memory_space<vmem>>) offsets(%dma_start3A_68 : memref<128xi32, #tpu.memory_space<vmem>>) semaphore(%arg14 : memref<!tpu.dma_semaphore, #tpu.memory_space<semaphore_mem>>)
    %dma_start3A_71 = arith.constant 2 : i32
    %dma_start3A_72 = arith.constant 2 : i32
    %dma_start3A_73 = arith.constant 0 : i32
    %dma_start3A_74 = tpu.memref_slice %arg10[%dma_start3A_72, %dma_start3A_73] : memref<8x128xf32, #tpu.memory_space<vmem>> -> memref<1x128xf32, #tpu.memory_space<vmem>>
    %dma_start3A_75 = tpu.memref_squeeze %dma_start3A_74 : memref<1x128xf32, #tpu.memory_space<vmem>> -> memref<128xf32, #tpu.memory_space<vmem>>
    %dma_start3A_76 = arith.constant 0 : i32
    %dma_start3A_77 = tpu.memref_slice %arg8[%dma_start3A_71, %dma_start3A_76] : memref<8x128xi32, #tpu.memory_space<vmem>> -> memref<1x128xi32, #tpu.memory_space<vmem>>
    %dma_start3A_78 = tpu.memref_squeeze %dma_start3A_77 : memref<1x128xi32, #tpu.memory_space<vmem>> -> memref<128xi32, #tpu.memory_space<vmem>>
    %dma_start3A_79 = arith.constant 0 : i32
    %dma_start3A_80 = tpu.memref_slice %arg4[%dma_start3A_79] : memref<1000000xf32, #tpu.memory_space<hbm>> -> memref<1000000xf32, #tpu.memory_space<hbm>>
    tpu.enqueue_indirect_dma source(%dma_start3A_80 : memref<1000000xf32, #tpu.memory_space<hbm>>) target(%dma_start3A_75 : memref<128xf32, #tpu.memory_space<vmem>>) offsets(%dma_start3A_78 : memref<128xi32, #tpu.memory_space<vmem>>) semaphore(%arg15 : memref<!tpu.dma_semaphore, #tpu.memory_space<semaphore_mem>>)
    %dma_start3A_81 = arith.constant 2 : i32
    %dma_start3A_82 = arith.constant 2 : i32
    %dma_start3A_83 = arith.constant 0 : i32
    %dma_start3A_84 = tpu.memref_slice %arg11[%dma_start3A_82, %dma_start3A_83] : memref<8x128xf32, #tpu.memory_space<vmem>> -> memref<1x128xf32, #tpu.memory_space<vmem>>
    %dma_start3A_85 = tpu.memref_squeeze %dma_start3A_84 : memref<1x128xf32, #tpu.memory_space<vmem>> -> memref<128xf32, #tpu.memory_space<vmem>>
    %dma_start3A_86 = arith.constant 0 : i32
    %dma_start3A_87 = tpu.memref_slice %arg9[%dma_start3A_81, %dma_start3A_86] : memref<8x128xi32, #tpu.memory_space<vmem>> -> memref<1x128xi32, #tpu.memory_space<vmem>>
    %dma_start3A_88 = tpu.memref_squeeze %dma_start3A_87 : memref<1x128xi32, #tpu.memory_space<vmem>> -> memref<128xi32, #tpu.memory_space<vmem>>
    %dma_start3A_89 = arith.constant 0 : i32
    %dma_start3A_90 = tpu.memref_slice %arg5[%dma_start3A_89] : memref<100000xf32, #tpu.memory_space<hbm>> -> memref<100000xf32, #tpu.memory_space<hbm>>
    tpu.enqueue_indirect_dma source(%dma_start3A_90 : memref<100000xf32, #tpu.memory_space<hbm>>) target(%dma_start3A_85 : memref<128xf32, #tpu.memory_space<vmem>>) offsets(%dma_start3A_88 : memref<128xi32, #tpu.memory_space<vmem>>) semaphore(%arg15 : memref<!tpu.dma_semaphore, #tpu.memory_space<semaphore_mem>>)
    %dma_start3A_91 = arith.constant 3 : i32
    %dma_start3A_92 = arith.constant 3 : i32
    %dma_start3A_93 = arith.constant 0 : i32
    %dma_start3A_94 = tpu.memref_slice %arg10[%dma_start3A_92, %dma_start3A_93] : memref<8x128xf32, #tpu.memory_space<vmem>> -> memref<1x128xf32, #tpu.memory_space<vmem>>
    %dma_start3A_95 = tpu.memref_squeeze %dma_start3A_94 : memref<1x128xf32, #tpu.memory_space<vmem>> -> memref<128xf32, #tpu.memory_space<vmem>>
    %dma_start3A_96 = arith.constant 0 : i32
    %dma_start3A_97 = tpu.memref_slice %arg8[%dma_start3A_91, %dma_start3A_96] : memref<8x128xi32, #tpu.memory_space<vmem>> -> memref<1x128xi32, #tpu.memory_space<vmem>>
    %dma_start3A_98 = tpu.memref_squeeze %dma_start3A_97 : memref<1x128xi32, #tpu.memory_space<vmem>> -> memref<128xi32, #tpu.memory_space<vmem>>
    %dma_start3A_99 = arith.constant 0 : i32
    %dma_start3A_100 = tpu.memref_slice %arg4[%dma_start3A_99] : memref<1000000xf32, #tpu.memory_space<hbm>> -> memref<1000000xf32, #tpu.memory_space<hbm>>
    tpu.enqueue_indirect_dma source(%dma_start3A_100 : memref<1000000xf32, #tpu.memory_space<hbm>>) target(%dma_start3A_95 : memref<128xf32, #tpu.memory_space<vmem>>) offsets(%dma_start3A_98 : memref<128xi32, #tpu.memory_space<vmem>>) semaphore(%arg15 : memref<!tpu.dma_semaphore, #tpu.memory_space<semaphore_mem>>)
    %dma_start3A_101 = arith.constant 3 : i32
    %dma_start3A_102 = arith.constant 3 : i32
    %dma_start3A_103 = arith.constant 0 : i32
    %dma_start3A_104 = tpu.memref_slice %arg11[%dma_start3A_102, %dma_start3A_103] : memref<8x128xf32, #tpu.memory_space<vmem>> -> memref<1x128xf32, #tpu.memory_space<vmem>>
    %dma_start3A_105 = tpu.memref_squeeze %dma_start3A_104 : memref<1x128xf32, #tpu.memory_space<vmem>> -> memref<128xf32, #tpu.memory_space<vmem>>
    %dma_start3A_106 = arith.constant 0 : i32
    %dma_start3A_107 = tpu.memref_slice %arg9[%dma_start3A_101, %dma_start3A_106] : memref<8x128xi32, #tpu.memory_space<vmem>> -> memref<1x128xi32, #tpu.memory_space<vmem>>
    %dma_start3A_108 = tpu.memref_squeeze %dma_start3A_107 : memref<1x128xi32, #tpu.memory_space<vmem>> -> memref<128xi32, #tpu.memory_space<vmem>>
    %dma_start3A_109 = arith.constant 0 : i32
    %dma_start3A_110 = tpu.memref_slice %arg5[%dma_start3A_109] : memref<100000xf32, #tpu.memory_space<hbm>> -> memref<100000xf32, #tpu.memory_space<hbm>>
    tpu.enqueue_indirect_dma source(%dma_start3A_110 : memref<100000xf32, #tpu.memory_space<hbm>>) target(%dma_start3A_105 : memref<128xf32, #tpu.memory_space<vmem>>) offsets(%dma_start3A_108 : memref<128xi32, #tpu.memory_space<vmem>>) semaphore(%arg15 : memref<!tpu.dma_semaphore, #tpu.memory_space<semaphore_mem>>)
    %dma_start3A_111 = arith.constant 4 : i32
    %dma_start3A_112 = arith.constant 4 : i32
    %dma_start3A_113 = arith.constant 0 : i32
    %dma_start3A_114 = tpu.memref_slice %arg10[%dma_start3A_112, %dma_start3A_113] : memref<8x128xf32, #tpu.memory_space<vmem>> -> memref<1x128xf32, #tpu.memory_space<vmem>>
    %dma_start3A_115 = tpu.memref_squeeze %dma_start3A_114 : memref<1x128xf32, #tpu.memory_space<vmem>> -> memref<128xf32, #tpu.memory_space<vmem>>
    %dma_start3A_116 = arith.constant 0 : i32
    %dma_start3A_117 = tpu.memref_slice %arg8[%dma_start3A_111, %dma_start3A_116] : memref<8x128xi32, #tpu.memory_space<vmem>> -> memref<1x128xi32, #tpu.memory_space<vmem>>
    %dma_start3A_118 = tpu.memref_squeeze %dma_start3A_117 : memref<1x128xi32, #tpu.memory_space<vmem>> -> memref<128xi32, #tpu.memory_space<vmem>>
    %dma_start3A_119 = arith.constant 0 : i32
    %dma_start3A_120 = tpu.memref_slice %arg4[%dma_start3A_119] : memref<1000000xf32, #tpu.memory_space<hbm>> -> memref<1000000xf32, #tpu.memory_space<hbm>>
    tpu.enqueue_indirect_dma source(%dma_start3A_120 : memref<1000000xf32, #tpu.memory_space<hbm>>) target(%dma_start3A_115 : memref<128xf32, #tpu.memory_space<vmem>>) offsets(%dma_start3A_118 : memref<128xi32, #tpu.memory_space<vmem>>) semaphore(%arg16 : memref<!tpu.dma_semaphore, #tpu.memory_space<semaphore_mem>>)
    %dma_start3A_121 = arith.constant 4 : i32
    %dma_start3A_122 = arith.constant 4 : i32
    %dma_start3A_123 = arith.constant 0 : i32
    %dma_start3A_124 = tpu.memref_slice %arg11[%dma_start3A_122, %dma_start3A_123] : memref<8x128xf32, #tpu.memory_space<vmem>> -> memref<1x128xf32, #tpu.memory_space<vmem>>
    %dma_start3A_125 = tpu.memref_squeeze %dma_start3A_124 : memref<1x128xf32, #tpu.memory_space<vmem>> -> memref<128xf32, #tpu.memory_space<vmem>>
    %dma_start3A_126 = arith.constant 0 : i32
    %dma_start3A_127 = tpu.memref_slice %arg9[%dma_start3A_121, %dma_start3A_126] : memref<8x128xi32, #tpu.memory_space<vmem>> -> memref<1x128xi32, #tpu.memory_space<vmem>>
    %dma_start3A_128 = tpu.memref_squeeze %dma_start3A_127 : memref<1x128xi32, #tpu.memory_space<vmem>> -> memref<128xi32, #tpu.memory_space<vmem>>
    %dma_start3A_129 = arith.constant 0 : i32
    %dma_start3A_130 = tpu.memref_slice %arg5[%dma_start3A_129] : memref<100000xf32, #tpu.memory_space<hbm>> -> memref<100000xf32, #tpu.memory_space<hbm>>
    tpu.enqueue_indirect_dma source(%dma_start3A_130 : memref<100000xf32, #tpu.memory_space<hbm>>) target(%dma_start3A_125 : memref<128xf32, #tpu.memory_space<vmem>>) offsets(%dma_start3A_128 : memref<128xi32, #tpu.memory_space<vmem>>) semaphore(%arg16 : memref<!tpu.dma_semaphore, #tpu.memory_space<semaphore_mem>>)
    %dma_start3A_131 = arith.constant 5 : i32
    %dma_start3A_132 = arith.constant 5 : i32
    %dma_start3A_133 = arith.constant 0 : i32
    %dma_start3A_134 = tpu.memref_slice %arg10[%dma_start3A_132, %dma_start3A_133] : memref<8x128xf32, #tpu.memory_space<vmem>> -> memref<1x128xf32, #tpu.memory_space<vmem>>
    %dma_start3A_135 = tpu.memref_squeeze %dma_start3A_134 : memref<1x128xf32, #tpu.memory_space<vmem>> -> memref<128xf32, #tpu.memory_space<vmem>>
    %dma_start3A_136 = arith.constant 0 : i32
    %dma_start3A_137 = tpu.memref_slice %arg8[%dma_start3A_131, %dma_start3A_136] : memref<8x128xi32, #tpu.memory_space<vmem>> -> memref<1x128xi32, #tpu.memory_space<vmem>>
    %dma_start3A_138 = tpu.memref_squeeze %dma_start3A_137 : memref<1x128xi32, #tpu.memory_space<vmem>> -> memref<128xi32, #tpu.memory_space<vmem>>
    %dma_start3A_139 = arith.constant 0 : i32
    %dma_start3A_140 = tpu.memref_slice %arg4[%dma_start3A_139] : memref<1000000xf32, #tpu.memory_space<hbm>> -> memref<1000000xf32, #tpu.memory_space<hbm>>
    tpu.enqueue_indirect_dma source(%dma_start3A_140 : memref<1000000xf32, #tpu.memory_space<hbm>>) target(%dma_start3A_135 : memref<128xf32, #tpu.memory_space<vmem>>) offsets(%dma_start3A_138 : memref<128xi32, #tpu.memory_space<vmem>>) semaphore(%arg16 : memref<!tpu.dma_semaphore, #tpu.memory_space<semaphore_mem>>)
    %dma_start3A_141 = arith.constant 5 : i32
    %dma_start3A_142 = arith.constant 5 : i32
    %dma_start3A_143 = arith.constant 0 : i32
    %dma_start3A_144 = tpu.memref_slice %arg11[%dma_start3A_142, %dma_start3A_143] : memref<8x128xf32, #tpu.memory_space<vmem>> -> memref<1x128xf32, #tpu.memory_space<vmem>>
    %dma_start3A_145 = tpu.memref_squeeze %dma_start3A_144 : memref<1x128xf32, #tpu.memory_space<vmem>> -> memref<128xf32, #tpu.memory_space<vmem>>
    %dma_start3A_146 = arith.constant 0 : i32
    %dma_start3A_147 = tpu.memref_slice %arg9[%dma_start3A_141, %dma_start3A_146] : memref<8x128xi32, #tpu.memory_space<vmem>> -> memref<1x128xi32, #tpu.memory_space<vmem>>
    %dma_start3A_148 = tpu.memref_squeeze %dma_start3A_147 : memref<1x128xi32, #tpu.memory_space<vmem>> -> memref<128xi32, #tpu.memory_space<vmem>>
    %dma_start3A_149 = arith.constant 0 : i32
    %dma_start3A_150 = tpu.memref_slice %arg5[%dma_start3A_149] : memref<100000xf32, #tpu.memory_space<hbm>> -> memref<100000xf32, #tpu.memory_space<hbm>>
    tpu.enqueue_indirect_dma source(%dma_start3A_150 : memref<100000xf32, #tpu.memory_space<hbm>>) target(%dma_start3A_145 : memref<128xf32, #tpu.memory_space<vmem>>) offsets(%dma_start3A_148 : memref<128xi32, #tpu.memory_space<vmem>>) semaphore(%arg16 : memref<!tpu.dma_semaphore, #tpu.memory_space<semaphore_mem>>)
    %dma_start3A_151 = arith.constant 6 : i32
    %dma_start3A_152 = arith.constant 6 : i32
    %dma_start3A_153 = arith.constant 0 : i32
    %dma_start3A_154 = tpu.memref_slice %arg10[%dma_start3A_152, %dma_start3A_153] : memref<8x128xf32, #tpu.memory_space<vmem>> -> memref<1x128xf32, #tpu.memory_space<vmem>>
    %dma_start3A_155 = tpu.memref_squeeze %dma_start3A_154 : memref<1x128xf32, #tpu.memory_space<vmem>> -> memref<128xf32, #tpu.memory_space<vmem>>
    %dma_start3A_156 = arith.constant 0 : i32
    %dma_start3A_157 = tpu.memref_slice %arg8[%dma_start3A_151, %dma_start3A_156] : memref<8x128xi32, #tpu.memory_space<vmem>> -> memref<1x128xi32, #tpu.memory_space<vmem>>
    %dma_start3A_158 = tpu.memref_squeeze %dma_start3A_157 : memref<1x128xi32, #tpu.memory_space<vmem>> -> memref<128xi32, #tpu.memory_space<vmem>>
    %dma_start3A_159 = arith.constant 0 : i32
    %dma_start3A_160 = tpu.memref_slice %arg4[%dma_start3A_159] : memref<1000000xf32, #tpu.memory_space<hbm>> -> memref<1000000xf32, #tpu.memory_space<hbm>>
    tpu.enqueue_indirect_dma source(%dma_start3A_160 : memref<1000000xf32, #tpu.memory_space<hbm>>) target(%dma_start3A_155 : memref<128xf32, #tpu.memory_space<vmem>>) offsets(%dma_start3A_158 : memref<128xi32, #tpu.memory_space<vmem>>) semaphore(%arg17 : memref<!tpu.dma_semaphore, #tpu.memory_space<semaphore_mem>>)
    %dma_start3A_161 = arith.constant 6 : i32
    %dma_start3A_162 = arith.constant 6 : i32
    %dma_start3A_163 = arith.constant 0 : i32
    %dma_start3A_164 = tpu.memref_slice %arg11[%dma_start3A_162, %dma_start3A_163] : memref<8x128xf32, #tpu.memory_space<vmem>> -> memref<1x128xf32, #tpu.memory_space<vmem>>
    %dma_start3A_165 = tpu.memref_squeeze %dma_start3A_164 : memref<1x128xf32, #tpu.memory_space<vmem>> -> memref<128xf32, #tpu.memory_space<vmem>>
    %dma_start3A_166 = arith.constant 0 : i32
    %dma_start3A_167 = tpu.memref_slice %arg9[%dma_start3A_161, %dma_start3A_166] : memref<8x128xi32, #tpu.memory_space<vmem>> -> memref<1x128xi32, #tpu.memory_space<vmem>>
    %dma_start3A_168 = tpu.memref_squeeze %dma_start3A_167 : memref<1x128xi32, #tpu.memory_space<vmem>> -> memref<128xi32, #tpu.memory_space<vmem>>
    %dma_start3A_169 = arith.constant 0 : i32
    %dma_start3A_170 = tpu.memref_slice %arg5[%dma_start3A_169] : memref<100000xf32, #tpu.memory_space<hbm>> -> memref<100000xf32, #tpu.memory_space<hbm>>
    tpu.enqueue_indirect_dma source(%dma_start3A_170 : memref<100000xf32, #tpu.memory_space<hbm>>) target(%dma_start3A_165 : memref<128xf32, #tpu.memory_space<vmem>>) offsets(%dma_start3A_168 : memref<128xi32, #tpu.memory_space<vmem>>) semaphore(%arg17 : memref<!tpu.dma_semaphore, #tpu.memory_space<semaphore_mem>>)
    %dma_start3A_171 = arith.constant 7 : i32
    %dma_start3A_172 = arith.constant 7 : i32
    %dma_start3A_173 = arith.constant 0 : i32
    %dma_start3A_174 = tpu.memref_slice %arg10[%dma_start3A_172, %dma_start3A_173] : memref<8x128xf32, #tpu.memory_space<vmem>> -> memref<1x128xf32, #tpu.memory_space<vmem>>
    %dma_start3A_175 = tpu.memref_squeeze %dma_start3A_174 : memref<1x128xf32, #tpu.memory_space<vmem>> -> memref<128xf32, #tpu.memory_space<vmem>>
    %dma_start3A_176 = arith.constant 0 : i32
    %dma_start3A_177 = tpu.memref_slice %arg8[%dma_start3A_171, %dma_start3A_176] : memref<8x128xi32, #tpu.memory_space<vmem>> -> memref<1x128xi32, #tpu.memory_space<vmem>>
    %dma_start3A_178 = tpu.memref_squeeze %dma_start3A_177 : memref<1x128xi32, #tpu.memory_space<vmem>> -> memref<128xi32, #tpu.memory_space<vmem>>
    %dma_start3A_179 = arith.constant 0 : i32
    %dma_start3A_180 = tpu.memref_slice %arg4[%dma_start3A_179] : memref<1000000xf32, #tpu.memory_space<hbm>> -> memref<1000000xf32, #tpu.memory_space<hbm>>
    tpu.enqueue_indirect_dma source(%dma_start3A_180 : memref<1000000xf32, #tpu.memory_space<hbm>>) target(%dma_start3A_175 : memref<128xf32, #tpu.memory_space<vmem>>) offsets(%dma_start3A_178 : memref<128xi32, #tpu.memory_space<vmem>>) semaphore(%arg17 : memref<!tpu.dma_semaphore, #tpu.memory_space<semaphore_mem>>)
    %dma_start3A_181 = arith.constant 7 : i32
    %dma_start3A_182 = arith.constant 7 : i32
    %dma_start3A_183 = arith.constant 0 : i32
    %dma_start3A_184 = tpu.memref_slice %arg11[%dma_start3A_182, %dma_start3A_183] : memref<8x128xf32, #tpu.memory_space<vmem>> -> memref<1x128xf32, #tpu.memory_space<vmem>>
    %dma_start3A_185 = tpu.memref_squeeze %dma_start3A_184 : memref<1x128xf32, #tpu.memory_space<vmem>> -> memref<128xf32, #tpu.memory_space<vmem>>
    %dma_start3A_186 = arith.constant 0 : i32
    %dma_start3A_187 = tpu.memref_slice %arg9[%dma_start3A_181, %dma_start3A_186] : memref<8x128xi32, #tpu.memory_space<vmem>> -> memref<1x128xi32, #tpu.memory_space<vmem>>
    %dma_start3A_188 = tpu.memref_squeeze %dma_start3A_187 : memref<1x128xi32, #tpu.memory_space<vmem>> -> memref<128xi32, #tpu.memory_space<vmem>>
    %dma_start3A_189 = arith.constant 0 : i32
    %dma_start3A_190 = tpu.memref_slice %arg5[%dma_start3A_189] : memref<100000xf32, #tpu.memory_space<hbm>> -> memref<100000xf32, #tpu.memory_space<hbm>>
    tpu.enqueue_indirect_dma source(%dma_start3A_190 : memref<100000xf32, #tpu.memory_space<hbm>>) target(%dma_start3A_185 : memref<128xf32, #tpu.memory_space<vmem>>) offsets(%dma_start3A_188 : memref<128xi32, #tpu.memory_space<vmem>>) semaphore(%arg17 : memref<!tpu.dma_semaphore, #tpu.memory_space<semaphore_mem>>)
    tpu.wait_dma2 semaphore(%arg13 : memref<!tpu.dma_semaphore, #tpu.memory_space<semaphore_mem>>) src(%arg6 : memref<16xf32, #tpu.memory_space<hbm>>) dst(%arg12 : memref<16xf32, #tpu.memory_space<vmem>>)
    %get3A = arith.constant 0 : index
    %get3A_191 = tpu.vector_load %arg12[%get3A] {strides = array<i32>} : memref<16xf32, #tpu.memory_space<vmem>>, vector<16xf32>,
    %get3A_192 = vector.shape_cast %get3A_191 : vector<16xf32> to vector<16xf32>
    %dma_wait3A_193 = arith.constant 0 : i32
    %dma_wait3A_194 = arith.constant 0 : i32
    %dma_wait3A_195 = arith.constant 0 : i32
    %dma_wait3A_196 = tpu.memref_slice %arg10[%dma_wait3A_194, %dma_wait3A_195] : memref<8x128xf32, #tpu.memory_space<vmem>> -> memref<1x128xf32, #tpu.memory_space<vmem>>
    %dma_wait3A_197 = tpu.memref_squeeze %dma_wait3A_196 : memref<1x128xf32, #tpu.memory_space<vmem>> -> memref<128xf32, #tpu.memory_space<vmem>>
    %dma_wait3A_198 = arith.constant 0 : i32
    %dma_wait3A_199 = tpu.memref_slice %arg8[%dma_wait3A_193, %dma_wait3A_198] : memref<8x128xi32, #tpu.memory_space<vmem>> -> memref<1x128xi32, #tpu.memory_space<vmem>>
    %dma_wait3A_200 = tpu.memref_squeeze %dma_wait3A_199 : memref<1x128xi32, #tpu.memory_space<vmem>> -> memref<128xi32, #tpu.memory_space<vmem>>
    %dma_wait3A_201 = arith.constant 0 : i32
    %dma_wait3A_202 = tpu.memref_slice %arg4[%dma_wait3A_201] : memref<1000000xf32, #tpu.memory_space<hbm>> -> memref<1000000xf32, #tpu.memory_space<hbm>>
    tpu.wait_indirect_dma semaphore(%arg14 : memref<!tpu.dma_semaphore, #tpu.memory_space<semaphore_mem>>) src(%dma_wait3A_202 : memref<1000000xf32, #tpu.memory_space<hbm>>) dst(%dma_wait3A_197 : memref<128xf32, #tpu.memory_space<vmem>>)
    %dma_wait3A_203 = arith.constant 0 : i32
    %dma_wait3A_204 = arith.constant 0 : i32
    %dma_wait3A_205 = arith.constant 0 : i32
    %dma_wait3A_206 = tpu.memref_slice %arg11[%dma_wait3A_204, %dma_wait3A_205] : memref<8x128xf32, #tpu.memory_space<vmem>> -> memref<1x128xf32, #tpu.memory_space<vmem>>
    %dma_wait3A_207 = tpu.memref_squeeze %dma_wait3A_206 : memref<1x128xf32, #tpu.memory_space<vmem>> -> memref<128xf32, #tpu.memory_space<vmem>>
    %dma_wait3A_208 = arith.constant 0 : i32
    %dma_wait3A_209 = tpu.memref_slice %arg9[%dma_wait3A_203, %dma_wait3A_208] : memref<8x128xi32, #tpu.memory_space<vmem>> -> memref<1x128xi32, #tpu.memory_space<vmem>>
    %dma_wait3A_210 = tpu.memref_squeeze %dma_wait3A_209 : memref<1x128xi32, #tpu.memory_space<vmem>> -> memref<128xi32, #tpu.memory_space<vmem>>
    %dma_wait3A_211 = arith.constant 0 : i32
    %dma_wait3A_212 = tpu.memref_slice %arg5[%dma_wait3A_211] : memref<100000xf32, #tpu.memory_space<hbm>> -> memref<100000xf32, #tpu.memory_space<hbm>>
    tpu.wait_indirect_dma semaphore(%arg14 : memref<!tpu.dma_semaphore, #tpu.memory_space<semaphore_mem>>) src(%dma_wait3A_212 : memref<100000xf32, #tpu.memory_space<hbm>>) dst(%dma_wait3A_207 : memref<128xf32, #tpu.memory_space<vmem>>)
    %dma_wait3A_213 = arith.constant 1 : i32
    %dma_wait3A_214 = arith.constant 1 : i32
    %dma_wait3A_215 = arith.constant 0 : i32
    %dma_wait3A_216 = tpu.memref_slice %arg10[%dma_wait3A_214, %dma_wait3A_215] : memref<8x128xf32, #tpu.memory_space<vmem>> -> memref<1x128xf32, #tpu.memory_space<vmem>>
    %dma_wait3A_217 = tpu.memref_squeeze %dma_wait3A_216 : memref<1x128xf32, #tpu.memory_space<vmem>> -> memref<128xf32, #tpu.memory_space<vmem>>
    %dma_wait3A_218 = arith.constant 0 : i32
    %dma_wait3A_219 = tpu.memref_slice %arg8[%dma_wait3A_213, %dma_wait3A_218] : memref<8x128xi32, #tpu.memory_space<vmem>> -> memref<1x128xi32, #tpu.memory_space<vmem>>
    %dma_wait3A_220 = tpu.memref_squeeze %dma_wait3A_219 : memref<1x128xi32, #tpu.memory_space<vmem>> -> memref<128xi32, #tpu.memory_space<vmem>>
    %dma_wait3A_221 = arith.constant 0 : i32
    %dma_wait3A_222 = tpu.memref_slice %arg4[%dma_wait3A_221] : memref<1000000xf32, #tpu.memory_space<hbm>> -> memref<1000000xf32, #tpu.memory_space<hbm>>
    tpu.wait_indirect_dma semaphore(%arg14 : memref<!tpu.dma_semaphore, #tpu.memory_space<semaphore_mem>>) src(%dma_wait3A_222 : memref<1000000xf32, #tpu.memory_space<hbm>>) dst(%dma_wait3A_217 : memref<128xf32, #tpu.memory_space<vmem>>)
    %dma_wait3A_223 = arith.constant 1 : i32
    %dma_wait3A_224 = arith.constant 1 : i32
    %dma_wait3A_225 = arith.constant 0 : i32
    %dma_wait3A_226 = tpu.memref_slice %arg11[%dma_wait3A_224, %dma_wait3A_225] : memref<8x128xf32, #tpu.memory_space<vmem>> -> memref<1x128xf32, #tpu.memory_space<vmem>>
    %dma_wait3A_227 = tpu.memref_squeeze %dma_wait3A_226 : memref<1x128xf32, #tpu.memory_space<vmem>> -> memref<128xf32, #tpu.memory_space<vmem>>
    %dma_wait3A_228 = arith.constant 0 : i32
    %dma_wait3A_229 = tpu.memref_slice %arg9[%dma_wait3A_223, %dma_wait3A_228] : memref<8x128xi32, #tpu.memory_space<vmem>> -> memref<1x128xi32, #tpu.memory_space<vmem>>
    %dma_wait3A_230 = tpu.memref_squeeze %dma_wait3A_229 : memref<1x128xi32, #tpu.memory_space<vmem>> -> memref<128xi32, #tpu.memory_space<vmem>>
    %dma_wait3A_231 = arith.constant 0 : i32
    %dma_wait3A_232 = tpu.memref_slice %arg5[%dma_wait3A_231] : memref<100000xf32, #tpu.memory_space<hbm>> -> memref<100000xf32, #tpu.memory_space<hbm>>
    tpu.wait_indirect_dma semaphore(%arg14 : memref<!tpu.dma_semaphore, #tpu.memory_space<semaphore_mem>>) src(%dma_wait3A_232 : memref<100000xf32, #tpu.memory_space<hbm>>) dst(%dma_wait3A_227 : memref<128xf32, #tpu.memory_space<vmem>>)
    %get3A_233 = arith.constant 0 : i32
    %get3A_234 = arith.index_cast %get3A_233 : i32 to index
    %get3A_235 = arith.constant 0 : index
    %get3A_236 = tpu.vector_load %arg10[%get3A_234, %get3A_235] {strides = array<i32>} : memref<8x128xf32, #tpu.memory_space<vmem>>, vector<1x16xf32>,
    %get3A_237 = vector.shape_cast %get3A_236 : vector<1x16xf32> to vector<16xf32>
    %get3A_238 = arith.constant 0 : i32
    %get3A_239 = arith.index_cast %get3A_238 : i32 to index
    %get3A_240 = arith.constant 0 : index
    %get3A_241 = tpu.vector_load %arg11[%get3A_239, %get3A_240] {strides = array<i32>} : memref<8x128xf32, #tpu.memory_space<vmem>>, vector<1x16xf32>,
    %get3A_242 = vector.shape_cast %get3A_241 : vector<1x16xf32> to vector<16xf32>
    %add3A_243 = arith.addf %get3A_237, %get3A_242 : vector<16xf32>
    %add3A_244 = arith.addf %add3A_243, %get3A_192 : vector<16xf32>
    %swap3A = arith.constant 0 : i32
    %swap3A_245 = arith.index_cast %swap3A : i32 to index
    %swap3A_246 = arith.constant 0 : index
    %swap3A_247 = tpu.vector_load %arg10[%swap3A_245, %swap3A_246] {strides = array<i32>} : memref<8x128xf32, #tpu.memory_space<vmem>>, vector<1x16xf32>,
    %swap3A_248 = vector.shape_cast %swap3A_247 : vector<1x16xf32> to vector<16xf32>
    %swap3A_249 = vector.shape_cast %add3A_244 : vector<16xf32> to vector<1x16xf32>
    tpu.vector_store %arg10[%swap3A_245, %swap3A_246], %swap3A_249 {strides = array<i32>} : memref<8x128xf32, #tpu.memory_space<vmem>>, vector<1x16xf32>,
    %get3A_250 = arith.constant 0 : i32
    %get3A_251 = arith.index_cast %get3A_250 : i32 to index
    %get3A_252 = arith.constant 16 : index
    %get3A_253 = tpu.vector_load %arg10[%get3A_251, %get3A_252] {strides = array<i32>} : memref<8x128xf32, #tpu.memory_space<vmem>>, vector<1x16xf32>,
    %get3A_254 = vector.shape_cast %get3A_253 : vector<1x16xf32> to vector<16xf32>
    %get3A_255 = arith.constant 0 : i32
    %get3A_256 = arith.index_cast %get3A_255 : i32 to index
    %get3A_257 = arith.constant 16 : index
    %get3A_258 = tpu.vector_load %arg11[%get3A_256, %get3A_257] {strides = array<i32>} : memref<8x128xf32, #tpu.memory_space<vmem>>, vector<1x16xf32>,
    %get3A_259 = vector.shape_cast %get3A_258 : vector<1x16xf32> to vector<16xf32>
    %add3A_260 = arith.addf %get3A_254, %get3A_259 : vector<16xf32>
    %add3A_261 = arith.addf %add3A_260, %get3A_192 : vector<16xf32>
    %swap3A_262 = arith.constant 0 : i32
    %swap3A_263 = arith.index_cast %swap3A_262 : i32 to index
    %swap3A_264 = arith.constant 16 : index
    %swap3A_265 = tpu.vector_load %arg10[%swap3A_263, %swap3A_264] {strides = array<i32>} : memref<8x128xf32, #tpu.memory_space<vmem>>, vector<1x16xf32>,
    %swap3A_266 = vector.shape_cast %swap3A_265 : vector<1x16xf32> to vector<16xf32>
    %swap3A_267 = vector.shape_cast %add3A_261 : vector<16xf32> to vector<1x16xf32>
    tpu.vector_store %arg10[%swap3A_263, %swap3A_264], %swap3A_267 {strides = array<i32>} : memref<8x128xf32, #tpu.memory_space<vmem>>, vector<1x16xf32>,
    %get3A_268 = arith.constant 0 : i32
    %get3A_269 = arith.index_cast %get3A_268 : i32 to index
    %get3A_270 = arith.constant 32 : index
    %get3A_271 = tpu.vector_load %arg10[%get3A_269, %get3A_270] {strides = array<i32>} : memref<8x128xf32, #tpu.memory_space<vmem>>, vector<1x16xf32>,
    %get3A_272 = vector.shape_cast %get3A_271 : vector<1x16xf32> to vector<16xf32>
    %get3A_273 = arith.constant 0 : i32
    %get3A_274 = arith.index_cast %get3A_273 : i32 to index
    %get3A_275 = arith.constant 32 : index
    %get3A_276 = tpu.vector_load %arg11[%get3A_274, %get3A_275] {strides = array<i32>} : memref<8x128xf32, #tpu.memory_space<vmem>>, vector<1x16xf32>,
    %get3A_277 = vector.shape_cast %get3A_276 : vector<1x16xf32> to vector<16xf32>
    %add3A_278 = arith.addf %get3A_272, %get3A_277 : vector<16xf32>
    %add3A_279 = arith.addf %add3A_278, %get3A_192 : vector<16xf32>
    %swap3A_280 = arith.constant 0 : i32
    %swap3A_281 = arith.index_cast %swap3A_280 : i32 to index
    %swap3A_282 = arith.constant 32 : index
    %swap3A_283 = tpu.vector_load %arg10[%swap3A_281, %swap3A_282] {strides = array<i32>} : memref<8x128xf32, #tpu.memory_space<vmem>>, vector<1x16xf32>,
    %swap3A_284 = vector.shape_cast %swap3A_283 : vector<1x16xf32> to vector<16xf32>
    %swap3A_285 = vector.shape_cast %add3A_279 : vector<16xf32> to vector<1x16xf32>
    tpu.vector_store %arg10[%swap3A_281, %swap3A_282], %swap3A_285 {strides = array<i32>} : memref<8x128xf32, #tpu.memory_space<vmem>>, vector<1x16xf32>,
    %get3A_286 = arith.constant 0 : i32
    %get3A_287 = arith.index_cast %get3A_286 : i32 to index
    %get3A_288 = arith.constant 48 : index
    %get3A_289 = tpu.vector_load %arg10[%get3A_287, %get3A_288] {strides = array<i32>} : memref<8x128xf32, #tpu.memory_space<vmem>>, vector<1x16xf32>,
    %get3A_290 = vector.shape_cast %get3A_289 : vector<1x16xf32> to vector<16xf32>
    %get3A_291 = arith.constant 0 : i32
    %get3A_292 = arith.index_cast %get3A_291 : i32 to index
    %get3A_293 = arith.constant 48 : index
    %get3A_294 = tpu.vector_load %arg11[%get3A_292, %get3A_293] {strides = array<i32>} : memref<8x128xf32, #tpu.memory_space<vmem>>, vector<1x16xf32>,
    %get3A_295 = vector.shape_cast %get3A_294 : vector<1x16xf32> to vector<16xf32>
    %add3A_296 = arith.addf %get3A_290, %get3A_295 : vector<16xf32>
    %add3A_297 = arith.addf %add3A_296, %get3A_192 : vector<16xf32>
    %swap3A_298 = arith.constant 0 : i32
    %swap3A_299 = arith.index_cast %swap3A_298 : i32 to index
    %swap3A_300 = arith.constant 48 : index
    %swap3A_301 = tpu.vector_load %arg10[%swap3A_299, %swap3A_300] {strides = array<i32>} : memref<8x128xf32, #tpu.memory_space<vmem>>, vector<1x16xf32>,
    %swap3A_302 = vector.shape_cast %swap3A_301 : vector<1x16xf32> to vector<16xf32>
    %swap3A_303 = vector.shape_cast %add3A_297 : vector<16xf32> to vector<1x16xf32>
    tpu.vector_store %arg10[%swap3A_299, %swap3A_300], %swap3A_303 {strides = array<i32>} : memref<8x128xf32, #tpu.memory_space<vmem>>, vector<1x16xf32>,
    %get3A_304 = arith.constant 0 : i32
    %get3A_305 = arith.index_cast %get3A_304 : i32 to index
    %get3A_306 = arith.constant 64 : index
    %get3A_307 = tpu.vector_load %arg10[%get3A_305, %get3A_306] {strides = array<i32>} : memref<8x128xf32, #tpu.memory_space<vmem>>, vector<1x16xf32>,
    %get3A_308 = vector.shape_cast %get3A_307 : vector<1x16xf32> to vector<16xf32>
    %get3A_309 = arith.constant 0 : i32
    %get3A_310 = arith.index_cast %get3A_309 : i32 to index
    %get3A_311 = arith.constant 64 : index
    %get3A_312 = tpu.vector_load %arg11[%get3A_310, %get3A_311] {strides = array<i32>} : memref<8x128xf32, #tpu.memory_space<vmem>>, vector<1x16xf32>,
    %get3A_313 = vector.shape_cast %get3A_312 : vector<1x16xf32> to vector<16xf32>
    %add3A_314 = arith.addf %get3A_308, %get3A_313 : vector<16xf32>
    %add3A_315 = arith.addf %add3A_314, %get3A_192 : vector<16xf32>
    %swap3A_316 = arith.constant 0 : i32
    %swap3A_317 = arith.index_cast %swap3A_316 : i32 to index
    %swap3A_318 = arith.constant 64 : index
    %swap3A_319 = tpu.vector_load %arg10[%swap3A_317, %swap3A_318] {strides = array<i32>} : memref<8x128xf32, #tpu.memory_space<vmem>>, vector<1x16xf32>,
    %swap3A_320 = vector.shape_cast %swap3A_319 : vector<1x16xf32> to vector<16xf32>
    %swap3A_321 = vector.shape_cast %add3A_315 : vector<16xf32> to vector<1x16xf32>
    tpu.vector_store %arg10[%swap3A_317, %swap3A_318], %swap3A_321 {strides = array<i32>} : memref<8x128xf32, #tpu.memory_space<vmem>>, vector<1x16xf32>,
    %get3A_322 = arith.constant 0 : i32
    %get3A_323 = arith.index_cast %get3A_322 : i32 to index
    %get3A_324 = arith.constant 80 : index
    %get3A_325 = tpu.vector_load %arg10[%get3A_323, %get3A_324] {strides = array<i32>} : memref<8x128xf32, #tpu.memory_space<vmem>>, vector<1x16xf32>,
    %get3A_326 = vector.shape_cast %get3A_325 : vector<1x16xf32> to vector<16xf32>
    %get3A_327 = arith.constant 0 : i32
    %get3A_328 = arith.index_cast %get3A_327 : i32 to index
    %get3A_329 = arith.constant 80 : index
    %get3A_330 = tpu.vector_load %arg11[%get3A_328, %get3A_329] {strides = array<i32>} : memref<8x128xf32, #tpu.memory_space<vmem>>, vector<1x16xf32>,
    %get3A_331 = vector.shape_cast %get3A_330 : vector<1x16xf32> to vector<16xf32>
    %add3A_332 = arith.addf %get3A_326, %get3A_331 : vector<16xf32>
    %add3A_333 = arith.addf %add3A_332, %get3A_192 : vector<16xf32>
    %swap3A_334 = arith.constant 0 : i32
    %swap3A_335 = arith.index_cast %swap3A_334 : i32 to index
    %swap3A_336 = arith.constant 80 : index
    %swap3A_337 = tpu.vector_load %arg10[%swap3A_335, %swap3A_336] {strides = array<i32>} : memref<8x128xf32, #tpu.memory_space<vmem>>, vector<1x16xf32>,
    %swap3A_338 = vector.shape_cast %swap3A_337 : vector<1x16xf32> to vector<16xf32>
    %swap3A_339 = vector.shape_cast %add3A_333 : vector<16xf32> to vector<1x16xf32>
    tpu.vector_store %arg10[%swap3A_335, %swap3A_336], %swap3A_339 {strides = array<i32>} : memref<8x128xf32, #tpu.memory_space<vmem>>, vector<1x16xf32>,
    %get3A_340 = arith.constant 0 : i32
    %get3A_341 = arith.index_cast %get3A_340 : i32 to index
    %get3A_342 = arith.constant 96 : index
    %get3A_343 = tpu.vector_load %arg10[%get3A_341, %get3A_342] {strides = array<i32>} : memref<8x128xf32, #tpu.memory_space<vmem>>, vector<1x16xf32>,
    %get3A_344 = vector.shape_cast %get3A_343 : vector<1x16xf32> to vector<16xf32>
    %get3A_345 = arith.constant 0 : i32
    %get3A_346 = arith.index_cast %get3A_345 : i32 to index
    %get3A_347 = arith.constant 96 : index
    %get3A_348 = tpu.vector_load %arg11[%get3A_346, %get3A_347] {strides = array<i32>} : memref<8x128xf32, #tpu.memory_space<vmem>>, vector<1x16xf32>,
    %get3A_349 = vector.shape_cast %get3A_348 : vector<1x16xf32> to vector<16xf32>
    %add3A_350 = arith.addf %get3A_344, %get3A_349 : vector<16xf32>
    %add3A_351 = arith.addf %add3A_350, %get3A_192 : vector<16xf32>
    %swap3A_352 = arith.constant 0 : i32
    %swap3A_353 = arith.index_cast %swap3A_352 : i32 to index
    %swap3A_354 = arith.constant 96 : index
    %swap3A_355 = tpu.vector_load %arg10[%swap3A_353, %swap3A_354] {strides = array<i32>} : memref<8x128xf32, #tpu.memory_space<vmem>>, vector<1x16xf32>,
    %swap3A_356 = vector.shape_cast %swap3A_355 : vector<1x16xf32> to vector<16xf32>
    %swap3A_357 = vector.shape_cast %add3A_351 : vector<16xf32> to vector<1x16xf32>
    tpu.vector_store %arg10[%swap3A_353, %swap3A_354], %swap3A_357 {strides = array<i32>} : memref<8x128xf32, #tpu.memory_space<vmem>>, vector<1x16xf32>,
    %get3A_358 = arith.constant 0 : i32
    %get3A_359 = arith.index_cast %get3A_358 : i32 to index
    %get3A_360 = arith.constant 112 : index
    %get3A_361 = tpu.vector_load %arg10[%get3A_359, %get3A_360] {strides = array<i32>} : memref<8x128xf32, #tpu.memory_space<vmem>>, vector<1x16xf32>,
    %get3A_362 = vector.shape_cast %get3A_361 : vector<1x16xf32> to vector<16xf32>
    %get3A_363 = arith.constant 0 : i32
    %get3A_364 = arith.index_cast %get3A_363 : i32 to index
    %get3A_365 = arith.constant 112 : index
    %get3A_366 = tpu.vector_load %arg11[%get3A_364, %get3A_365] {strides = array<i32>} : memref<8x128xf32, #tpu.memory_space<vmem>>, vector<1x16xf32>,
    %get3A_367 = vector.shape_cast %get3A_366 : vector<1x16xf32> to vector<16xf32>
    %add3A_368 = arith.addf %get3A_362, %get3A_367 : vector<16xf32>
    %add3A_369 = arith.addf %add3A_368, %get3A_192 : vector<16xf32>
    %swap3A_370 = arith.constant 0 : i32
    %swap3A_371 = arith.index_cast %swap3A_370 : i32 to index
    %swap3A_372 = arith.constant 112 : index
    %swap3A_373 = tpu.vector_load %arg10[%swap3A_371, %swap3A_372] {strides = array<i32>} : memref<8x128xf32, #tpu.memory_space<vmem>>, vector<1x16xf32>,
    %swap3A_374 = vector.shape_cast %swap3A_373 : vector<1x16xf32> to vector<16xf32>
    %swap3A_375 = vector.shape_cast %add3A_369 : vector<16xf32> to vector<1x16xf32>
    tpu.vector_store %arg10[%swap3A_371, %swap3A_372], %swap3A_375 {strides = array<i32>} : memref<8x128xf32, #tpu.memory_space<vmem>>, vector<1x16xf32>,
    %get3A_376 = arith.constant 1 : i32
    %get3A_377 = arith.index_cast %get3A_376 : i32 to index
    %get3A_378 = arith.constant 0 : index
    %get3A_379 = tpu.vector_load %arg10[%get3A_377, %get3A_378] {strides = array<i32>} : memref<8x128xf32, #tpu.memory_space<vmem>>, vector<1x16xf32>,
    %get3A_380 = vector.shape_cast %get3A_379 : vector<1x16xf32> to vector<16xf32>
    %get3A_381 = arith.constant 1 : i32
    %get3A_382 = arith.index_cast %get3A_381 : i32 to index
    %get3A_383 = arith.constant 0 : index
    %get3A_384 = tpu.vector_load %arg11[%get3A_382, %get3A_383] {strides = array<i32>} : memref<8x128xf32, #tpu.memory_space<vmem>>, vector<1x16xf32>,
    %get3A_385 = vector.shape_cast %get3A_384 : vector<1x16xf32> to vector<16xf32>
    %add3A_386 = arith.addf %get3A_380, %get3A_385 : vector<16xf32>
    %add3A_387 = arith.addf %add3A_386, %get3A_192 : vector<16xf32>
    %swap3A_388 = arith.constant 1 : i32
    %swap3A_389 = arith.index_cast %swap3A_388 : i32 to index
    %swap3A_390 = arith.constant 0 : index
    %swap3A_391 = tpu.vector_load %arg10[%swap3A_389, %swap3A_390] {strides = array<i32>} : memref<8x128xf32, #tpu.memory_space<vmem>>, vector<1x16xf32>,
    %swap3A_392 = vector.shape_cast %swap3A_391 : vector<1x16xf32> to vector<16xf32>
    %swap3A_393 = vector.shape_cast %add3A_387 : vector<16xf32> to vector<1x16xf32>
    tpu.vector_store %arg10[%swap3A_389, %swap3A_390], %swap3A_393 {strides = array<i32>} : memref<8x128xf32, #tpu.memory_space<vmem>>, vector<1x16xf32>,
    %get3A_394 = arith.constant 1 : i32
    %get3A_395 = arith.index_cast %get3A_394 : i32 to index
    %get3A_396 = arith.constant 16 : index
    %get3A_397 = tpu.vector_load %arg10[%get3A_395, %get3A_396] {strides = array<i32>} : memref<8x128xf32, #tpu.memory_space<vmem>>, vector<1x16xf32>,
    %get3A_398 = vector.shape_cast %get3A_397 : vector<1x16xf32> to vector<16xf32>
    %get3A_399 = arith.constant 1 : i32
    %get3A_400 = arith.index_cast %get3A_399 : i32 to index
    %get3A_401 = arith.constant 16 : index
    %get3A_402 = tpu.vector_load %arg11[%get3A_400, %get3A_401] {strides = array<i32>} : memref<8x128xf32, #tpu.memory_space<vmem>>, vector<1x16xf32>,
    %get3A_403 = vector.shape_cast %get3A_402 : vector<1x16xf32> to vector<16xf32>
    %add3A_404 = arith.addf %get3A_398, %get3A_403 : vector<16xf32>
    %add3A_405 = arith.addf %add3A_404, %get3A_192 : vector<16xf32>
    %swap3A_406 = arith.constant 1 : i32
    %swap3A_407 = arith.index_cast %swap3A_406 : i32 to index
    %swap3A_408 = arith.constant 16 : index
    %swap3A_409 = tpu.vector_load %arg10[%swap3A_407, %swap3A_408] {strides = array<i32>} : memref<8x128xf32, #tpu.memory_space<vmem>>, vector<1x16xf32>,
    %swap3A_410 = vector.shape_cast %swap3A_409 : vector<1x16xf32> to vector<16xf32>
    %swap3A_411 = vector.shape_cast %add3A_405 : vector<16xf32> to vector<1x16xf32>
    tpu.vector_store %arg10[%swap3A_407, %swap3A_408], %swap3A_411 {strides = array<i32>} : memref<8x128xf32, #tpu.memory_space<vmem>>, vector<1x16xf32>,
    %get3A_412 = arith.constant 1 : i32
    %get3A_413 = arith.index_cast %get3A_412 : i32 to index
    %get3A_414 = arith.constant 32 : index
    %get3A_415 = tpu.vector_load %arg10[%get3A_413, %get3A_414] {strides = array<i32>} : memref<8x128xf32, #tpu.memory_space<vmem>>, vector<1x16xf32>,
    %get3A_416 = vector.shape_cast %get3A_415 : vector<1x16xf32> to vector<16xf32>
    %get3A_417 = arith.constant 1 : i32
    %get3A_418 = arith.index_cast %get3A_417 : i32 to index
    %get3A_419 = arith.constant 32 : index
    %get3A_420 = tpu.vector_load %arg11[%get3A_418, %get3A_419] {strides = array<i32>} : memref<8x128xf32, #tpu.memory_space<vmem>>, vector<1x16xf32>,
    %get3A_421 = vector.shape_cast %get3A_420 : vector<1x16xf32> to vector<16xf32>
    %add3A_422 = arith.addf %get3A_416, %get3A_421 : vector<16xf32>
    %add3A_423 = arith.addf %add3A_422, %get3A_192 : vector<16xf32>
    %swap3A_424 = arith.constant 1 : i32
    %swap3A_425 = arith.index_cast %swap3A_424 : i32 to index
    %swap3A_426 = arith.constant 32 : index
    %swap3A_427 = tpu.vector_load %arg10[%swap3A_425, %swap3A_426] {strides = array<i32>} : memref<8x128xf32, #tpu.memory_space<vmem>>, vector<1x16xf32>,
    %swap3A_428 = vector.shape_cast %swap3A_427 : vector<1x16xf32> to vector<16xf32>
    %swap3A_429 = vector.shape_cast %add3A_423 : vector<16xf32> to vector<1x16xf32>
    tpu.vector_store %arg10[%swap3A_425, %swap3A_426], %swap3A_429 {strides = array<i32>} : memref<8x128xf32, #tpu.memory_space<vmem>>, vector<1x16xf32>,
    %get3A_430 = arith.constant 1 : i32
    %get3A_431 = arith.index_cast %get3A_430 : i32 to index
    %get3A_432 = arith.constant 48 : index
    %get3A_433 = tpu.vector_load %arg10[%get3A_431, %get3A_432] {strides = array<i32>} : memref<8x128xf32, #tpu.memory_space<vmem>>, vector<1x16xf32>,
    %get3A_434 = vector.shape_cast %get3A_433 : vector<1x16xf32> to vector<16xf32>
    %get3A_435 = arith.constant 1 : i32
    %get3A_436 = arith.index_cast %get3A_435 : i32 to index
    %get3A_437 = arith.constant 48 : index
    %get3A_438 = tpu.vector_load %arg11[%get3A_436, %get3A_437] {strides = array<i32>} : memref<8x128xf32, #tpu.memory_space<vmem>>, vector<1x16xf32>,
    %get3A_439 = vector.shape_cast %get3A_438 : vector<1x16xf32> to vector<16xf32>
    %add3A_440 = arith.addf %get3A_434, %get3A_439 : vector<16xf32>
    %add3A_441 = arith.addf %add3A_440, %get3A_192 : vector<16xf32>
    %swap3A_442 = arith.constant 1 : i32
    %swap3A_443 = arith.index_cast %swap3A_442 : i32 to index
    %swap3A_444 = arith.constant 48 : index
    %swap3A_445 = tpu.vector_load %arg10[%swap3A_443, %swap3A_444] {strides = array<i32>} : memref<8x128xf32, #tpu.memory_space<vmem>>, vector<1x16xf32>,
    %swap3A_446 = vector.shape_cast %swap3A_445 : vector<1x16xf32> to vector<16xf32>
    %swap3A_447 = vector.shape_cast %add3A_441 : vector<16xf32> to vector<1x16xf32>
    tpu.vector_store %arg10[%swap3A_443, %swap3A_444], %swap3A_447 {strides = array<i32>} : memref<8x128xf32, #tpu.memory_space<vmem>>, vector<1x16xf32>,
    %get3A_448 = arith.constant 1 : i32
    %get3A_449 = arith.index_cast %get3A_448 : i32 to index
    %get3A_450 = arith.constant 64 : index
    %get3A_451 = tpu.vector_load %arg10[%get3A_449, %get3A_450] {strides = array<i32>} : memref<8x128xf32, #tpu.memory_space<vmem>>, vector<1x16xf32>,
    %get3A_452 = vector.shape_cast %get3A_451 : vector<1x16xf32> to vector<16xf32>
    %get3A_453 = arith.constant 1 : i32
    %get3A_454 = arith.index_cast %get3A_453 : i32 to index
    %get3A_455 = arith.constant 64 : index
    %get3A_456 = tpu.vector_load %arg11[%get3A_454, %get3A_455] {strides = array<i32>} : memref<8x128xf32, #tpu.memory_space<vmem>>, vector<1x16xf32>,
    %get3A_457 = vector.shape_cast %get3A_456 : vector<1x16xf32> to vector<16xf32>
    %add3A_458 = arith.addf %get3A_452, %get3A_457 : vector<16xf32>
    %add3A_459 = arith.addf %add3A_458, %get3A_192 : vector<16xf32>
    %swap3A_460 = arith.constant 1 : i32
    %swap3A_461 = arith.index_cast %swap3A_460 : i32 to index
    %swap3A_462 = arith.constant 64 : index
    %swap3A_463 = tpu.vector_load %arg10[%swap3A_461, %swap3A_462] {strides = array<i32>} : memref<8x128xf32, #tpu.memory_space<vmem>>, vector<1x16xf32>,
    %swap3A_464 = vector.shape_cast %swap3A_463 : vector<1x16xf32> to vector<16xf32>
    %swap3A_465 = vector.shape_cast %add3A_459 : vector<16xf32> to vector<1x16xf32>
    tpu.vector_store %arg10[%swap3A_461, %swap3A_462], %swap3A_465 {strides = array<i32>} : memref<8x128xf32, #tpu.memory_space<vmem>>, vector<1x16xf32>,
    %get3A_466 = arith.constant 1 : i32
    %get3A_467 = arith.index_cast %get3A_466 : i32 to index
    %get3A_468 = arith.constant 80 : index
    %get3A_469 = tpu.vector_load %arg10[%get3A_467, %get3A_468] {strides = array<i32>} : memref<8x128xf32, #tpu.memory_space<vmem>>, vector<1x16xf32>,
    %get3A_470 = vector.shape_cast %get3A_469 : vector<1x16xf32> to vector<16xf32>
    %get3A_471 = arith.constant 1 : i32
    %get3A_472 = arith.index_cast %get3A_471 : i32 to index
    %get3A_473 = arith.constant 80 : index
    %get3A_474 = tpu.vector_load %arg11[%get3A_472, %get3A_473] {strides = array<i32>} : memref<8x128xf32, #tpu.memory_space<vmem>>, vector<1x16xf32>,
    %get3A_475 = vector.shape_cast %get3A_474 : vector<1x16xf32> to vector<16xf32>
    %add3A_476 = arith.addf %get3A_470, %get3A_475 : vector<16xf32>
    %add3A_477 = arith.addf %add3A_476, %get3A_192 : vector<16xf32>
    %swap3A_478 = arith.constant 1 : i32
    %swap3A_479 = arith.index_cast %swap3A_478 : i32 to index
    %swap3A_480 = arith.constant 80 : index
    %swap3A_481 = tpu.vector_load %arg10[%swap3A_479, %swap3A_480] {strides = array<i32>} : memref<8x128xf32, #tpu.memory_space<vmem>>, vector<1x16xf32>,
    %swap3A_482 = vector.shape_cast %swap3A_481 : vector<1x16xf32> to vector<16xf32>
    %swap3A_483 = vector.shape_cast %add3A_477 : vector<16xf32> to vector<1x16xf32>
    tpu.vector_store %arg10[%swap3A_479, %swap3A_480], %swap3A_483 {strides = array<i32>} : memref<8x128xf32, #tpu.memory_space<vmem>>, vector<1x16xf32>,
    %get3A_484 = arith.constant 1 : i32
    %get3A_485 = arith.index_cast %get3A_484 : i32 to index
    %get3A_486 = arith.constant 96 : index
    %get3A_487 = tpu.vector_load %arg10[%get3A_485, %get3A_486] {strides = array<i32>} : memref<8x128xf32, #tpu.memory_space<vmem>>, vector<1x16xf32>,
    %get3A_488 = vector.shape_cast %get3A_487 : vector<1x16xf32> to vector<16xf32>
    %get3A_489 = arith.constant 1 : i32
    %get3A_490 = arith.index_cast %get3A_489 : i32 to index
    %get3A_491 = arith.constant 96 : index
    %get3A_492 = tpu.vector_load %arg11[%get3A_490, %get3A_491] {strides = array<i32>} : memref<8x128xf32, #tpu.memory_space<vmem>>, vector<1x16xf32>,
    %get3A_493 = vector.shape_cast %get3A_492 : vector<1x16xf32> to vector<16xf32>
    %add3A_494 = arith.addf %get3A_488, %get3A_493 : vector<16xf32>
    %add3A_495 = arith.addf %add3A_494, %get3A_192 : vector<16xf32>
    %swap3A_496 = arith.constant 1 : i32
    %swap3A_497 = arith.index_cast %swap3A_496 : i32 to index
    %swap3A_498 = arith.constant 96 : index
    %swap3A_499 = tpu.vector_load %arg10[%swap3A_497, %swap3A_498] {strides = array<i32>} : memref<8x128xf32, #tpu.memory_space<vmem>>, vector<1x16xf32>,
    %swap3A_500 = vector.shape_cast %swap3A_499 : vector<1x16xf32> to vector<16xf32>
    %swap3A_501 = vector.shape_cast %add3A_495 : vector<16xf32> to vector<1x16xf32>
    tpu.vector_store %arg10[%swap3A_497, %swap3A_498], %swap3A_501 {strides = array<i32>} : memref<8x128xf32, #tpu.memory_space<vmem>>, vector<1x16xf32>,
    %get3A_502 = arith.constant 1 : i32
    %get3A_503 = arith.index_cast %get3A_502 : i32 to index
    %get3A_504 = arith.constant 112 : index
    %get3A_505 = tpu.vector_load %arg10[%get3A_503, %get3A_504] {strides = array<i32>} : memref<8x128xf32, #tpu.memory_space<vmem>>, vector<1x16xf32>,
    %get3A_506 = vector.shape_cast %get3A_505 : vector<1x16xf32> to vector<16xf32>
    %get3A_507 = arith.constant 1 : i32
    %get3A_508 = arith.index_cast %get3A_507 : i32 to index
    %get3A_509 = arith.constant 112 : index
    %get3A_510 = tpu.vector_load %arg11[%get3A_508, %get3A_509] {strides = array<i32>} : memref<8x128xf32, #tpu.memory_space<vmem>>, vector<1x16xf32>,
    %get3A_511 = vector.shape_cast %get3A_510 : vector<1x16xf32> to vector<16xf32>
    %add3A_512 = arith.addf %get3A_506, %get3A_511 : vector<16xf32>
    %add3A_513 = arith.addf %add3A_512, %get3A_192 : vector<16xf32>
    %swap3A_514 = arith.constant 1 : i32
    %swap3A_515 = arith.index_cast %swap3A_514 : i32 to index
    %swap3A_516 = arith.constant 112 : index
    %swap3A_517 = tpu.vector_load %arg10[%swap3A_515, %swap3A_516] {strides = array<i32>} : memref<8x128xf32, #tpu.memory_space<vmem>>, vector<1x16xf32>,
    %swap3A_518 = vector.shape_cast %swap3A_517 : vector<1x16xf32> to vector<16xf32>
    %swap3A_519 = vector.shape_cast %add3A_513 : vector<16xf32> to vector<1x16xf32>
    tpu.vector_store %arg10[%swap3A_515, %swap3A_516], %swap3A_519 {strides = array<i32>} : memref<8x128xf32, #tpu.memory_space<vmem>>, vector<1x16xf32>,
    %dma_start3A_520 = arith.constant 0 : i32
    %dma_start3A_521 = arith.constant 0 : i32
    %dma_start3A_522 = tpu.memref_slice %arg10[%dma_start3A_520, %dma_start3A_521] : memref<8x128xf32, #tpu.memory_space<vmem>> -> memref<2x128xf32, #tpu.memory_space<vmem>>
    %dma_start3A_523 = arith.constant 0 : i32
    %dma_start3A_524 = arith.constant 0 : i32
    %dma_start3A_525 = tpu.memref_slice %arg7[%add3A, %dma_start3A_523, %dma_start3A_524] : memref<16x8x128xf32, #tpu.memory_space<hbm>> -> memref<1x2x128xf32, #tpu.memory_space<hbm>>
    %dma_start3A_526 = tpu.memref_squeeze %dma_start3A_525 : memref<1x2x128xf32, #tpu.memory_space<hbm>> -> memref<2x128xf32, #tpu.memory_space<hbm>>
    %dma_start3A_527 = arith.constant 0 : i32
    %dma_start3A_528 = arith.constant 0 : i32
    %dma_start3A_529 = tpu.memref_slice %arg7[%add3A, %dma_start3A_527, %dma_start3A_528] : memref<16x8x128xf32, #tpu.memory_space<hbm>> -> memref<1x2x128xf32, #tpu.memory_space<hbm>>
    %dma_start3A_530 = tpu.memref_squeeze %dma_start3A_529 : memref<1x2x128xf32, #tpu.memory_space<hbm>> -> memref<2x128xf32, #tpu.memory_space<hbm>>
    %dma_start3A_531 = arith.constant 0 : i32
    %dma_start3A_532 = arith.constant 0 : i32
    %dma_start3A_533 = tpu.memref_slice %arg10[%dma_start3A_531, %dma_start3A_532] : memref<8x128xf32, #tpu.memory_space<vmem>> -> memref<2x128xf32, #tpu.memory_space<vmem>>
    tpu.enqueue_dma source(%dma_start3A_533 : memref<2x128xf32, #tpu.memory_space<vmem>>) target(%dma_start3A_530 : memref<2x128xf32, #tpu.memory_space<hbm>>) target_semaphore(%arg18 : memref<!tpu.dma_semaphore, #tpu.memory_space<semaphore_mem>>)
    %dma_wait3A_534 = arith.constant 2 : i32
    %dma_wait3A_535 = arith.constant 2 : i32
    %dma_wait3A_536 = arith.constant 0 : i32
    %dma_wait3A_537 = tpu.memref_slice %arg10[%dma_wait3A_535, %dma_wait3A_536] : memref<8x128xf32, #tpu.memory_space<vmem>> -> memref<1x128xf32, #tpu.memory_space<vmem>>
    %dma_wait3A_538 = tpu.memref_squeeze %dma_wait3A_537 : memref<1x128xf32, #tpu.memory_space<vmem>> -> memref<128xf32, #tpu.memory_space<vmem>>
    %dma_wait3A_539 = arith.constant 0 : i32
    %dma_wait3A_540 = tpu.memref_slice %arg8[%dma_wait3A_534, %dma_wait3A_539] : memref<8x128xi32, #tpu.memory_space<vmem>> -> memref<1x128xi32, #tpu.memory_space<vmem>>
    %dma_wait3A_541 = tpu.memref_squeeze %dma_wait3A_540 : memref<1x128xi32, #tpu.memory_space<vmem>> -> memref<128xi32, #tpu.memory_space<vmem>>
    %dma_wait3A_542 = arith.constant 0 : i32
    %dma_wait3A_543 = tpu.memref_slice %arg4[%dma_wait3A_542] : memref<1000000xf32, #tpu.memory_space<hbm>> -> memref<1000000xf32, #tpu.memory_space<hbm>>
    tpu.wait_indirect_dma semaphore(%arg15 : memref<!tpu.dma_semaphore, #tpu.memory_space<semaphore_mem>>) src(%dma_wait3A_543 : memref<1000000xf32, #tpu.memory_space<hbm>>) dst(%dma_wait3A_538 : memref<128xf32, #tpu.memory_space<vmem>>)
    %dma_wait3A_544 = arith.constant 2 : i32
    %dma_wait3A_545 = arith.constant 2 : i32
    %dma_wait3A_546 = arith.constant 0 : i32
    %dma_wait3A_547 = tpu.memref_slice %arg11[%dma_wait3A_545, %dma_wait3A_546] : memref<8x128xf32, #tpu.memory_space<vmem>> -> memref<1x128xf32, #tpu.memory_space<vmem>>
    %dma_wait3A_548 = tpu.memref_squeeze %dma_wait3A_547 : memref<1x128xf32, #tpu.memory_space<vmem>> -> memref<128xf32, #tpu.memory_space<vmem>>
    %dma_wait3A_549 = arith.constant 0 : i32
    %dma_wait3A_550 = tpu.memref_slice %arg9[%dma_wait3A_544, %dma_wait3A_549] : memref<8x128xi32, #tpu.memory_space<vmem>> -> memref<1x128xi32, #tpu.memory_space<vmem>>
    %dma_wait3A_551 = tpu.memref_squeeze %dma_wait3A_550 : memref<1x128xi32, #tpu.memory_space<vmem>> -> memref<128xi32, #tpu.memory_space<vmem>>
    %dma_wait3A_552 = arith.constant 0 : i32
    %dma_wait3A_553 = tpu.memref_slice %arg5[%dma_wait3A_552] : memref<100000xf32, #tpu.memory_space<hbm>> -> memref<100000xf32, #tpu.memory_space<hbm>>
    tpu.wait_indirect_dma semaphore(%arg15 : memref<!tpu.dma_semaphore, #tpu.memory_space<semaphore_mem>>) src(%dma_wait3A_553 : memref<100000xf32, #tpu.memory_space<hbm>>) dst(%dma_wait3A_548 : memref<128xf32, #tpu.memory_space<vmem>>)
    %dma_wait3A_554 = arith.constant 3 : i32
    %dma_wait3A_555 = arith.constant 3 : i32
    %dma_wait3A_556 = arith.constant 0 : i32
    %dma_wait3A_557 = tpu.memref_slice %arg10[%dma_wait3A_555, %dma_wait3A_556] : memref<8x128xf32, #tpu.memory_space<vmem>> -> memref<1x128xf32, #tpu.memory_space<vmem>>
    %dma_wait3A_558 = tpu.memref_squeeze %dma_wait3A_557 : memref<1x128xf32, #tpu.memory_space<vmem>> -> memref<128xf32, #tpu.memory_space<vmem>>
    %dma_wait3A_559 = arith.constant 0 : i32
    %dma_wait3A_560 = tpu.memref_slice %arg8[%dma_wait3A_554, %dma_wait3A_559] : memref<8x128xi32, #tpu.memory_space<vmem>> -> memref<1x128xi32, #tpu.memory_space<vmem>>
    %dma_wait3A_561 = tpu.memref_squeeze %dma_wait3A_560 : memref<1x128xi32, #tpu.memory_space<vmem>> -> memref<128xi32, #tpu.memory_space<vmem>>
    %dma_wait3A_562 = arith.constant 0 : i32
    %dma_wait3A_563 = tpu.memref_slice %arg4[%dma_wait3A_562] : memref<1000000xf32, #tpu.memory_space<hbm>> -> memref<1000000xf32, #tpu.memory_space<hbm>>
    tpu.wait_indirect_dma semaphore(%arg15 : memref<!tpu.dma_semaphore, #tpu.memory_space<semaphore_mem>>) src(%dma_wait3A_563 : memref<1000000xf32, #tpu.memory_space<hbm>>) dst(%dma_wait3A_558 : memref<128xf32, #tpu.memory_space<vmem>>)
    %dma_wait3A_564 = arith.constant 3 : i32
    %dma_wait3A_565 = arith.constant 3 : i32
    %dma_wait3A_566 = arith.constant 0 : i32
    %dma_wait3A_567 = tpu.memref_slice %arg11[%dma_wait3A_565, %dma_wait3A_566] : memref<8x128xf32, #tpu.memory_space<vmem>> -> memref<1x128xf32, #tpu.memory_space<vmem>>
    %dma_wait3A_568 = tpu.memref_squeeze %dma_wait3A_567 : memref<1x128xf32, #tpu.memory_space<vmem>> -> memref<128xf32, #tpu.memory_space<vmem>>
    %dma_wait3A_569 = arith.constant 0 : i32
    %dma_wait3A_570 = tpu.memref_slice %arg9[%dma_wait3A_564, %dma_wait3A_569] : memref<8x128xi32, #tpu.memory_space<vmem>> -> memref<1x128xi32, #tpu.memory_space<vmem>>
    %dma_wait3A_571 = tpu.memref_squeeze %dma_wait3A_570 : memref<1x128xi32, #tpu.memory_space<vmem>> -> memref<128xi32, #tpu.memory_space<vmem>>
    %dma_wait3A_572 = arith.constant 0 : i32
    %dma_wait3A_573 = tpu.memref_slice %arg5[%dma_wait3A_572] : memref<100000xf32, #tpu.memory_space<hbm>> -> memref<100000xf32, #tpu.memory_space<hbm>>
    tpu.wait_indirect_dma semaphore(%arg15 : memref<!tpu.dma_semaphore, #tpu.memory_space<semaphore_mem>>) src(%dma_wait3A_573 : memref<100000xf32, #tpu.memory_space<hbm>>) dst(%dma_wait3A_568 : memref<128xf32, #tpu.memory_space<vmem>>)
    %get3A_574 = arith.constant 2 : i32
    %get3A_575 = arith.index_cast %get3A_574 : i32 to index
    %get3A_576 = arith.constant 0 : index
    %get3A_577 = tpu.vector_load %arg10[%get3A_575, %get3A_576] {strides = array<i32>} : memref<8x128xf32, #tpu.memory_space<vmem>>, vector<1x16xf32>,
    %get3A_578 = vector.shape_cast %get3A_577 : vector<1x16xf32> to vector<16xf32>
    %get3A_579 = arith.constant 2 : i32
    %get3A_580 = arith.index_cast %get3A_579 : i32 to index
    %get3A_581 = arith.constant 0 : index
    %get3A_582 = tpu.vector_load %arg11[%get3A_580, %get3A_581] {strides = array<i32>} : memref<8x128xf32, #tpu.memory_space<vmem>>, vector<1x16xf32>,
    %get3A_583 = vector.shape_cast %get3A_582 : vector<1x16xf32> to vector<16xf32>
    %add3A_584 = arith.addf %get3A_578, %get3A_583 : vector<16xf32>
    %add3A_585 = arith.addf %add3A_584, %get3A_192 : vector<16xf32>
    %swap3A_586 = arith.constant 2 : i32
    %swap3A_587 = arith.index_cast %swap3A_586 : i32 to index
    %swap3A_588 = arith.constant 0 : index
    %swap3A_589 = tpu.vector_load %arg10[%swap3A_587, %swap3A_588] {strides = array<i32>} : memref<8x128xf32, #tpu.memory_space<vmem>>, vector<1x16xf32>,
    %swap3A_590 = vector.shape_cast %swap3A_589 : vector<1x16xf32> to vector<16xf32>
    %swap3A_591 = vector.shape_cast %add3A_585 : vector<16xf32> to vector<1x16xf32>
    tpu.vector_store %arg10[%swap3A_587, %swap3A_588], %swap3A_591 {strides = array<i32>} : memref<8x128xf32, #tpu.memory_space<vmem>>, vector<1x16xf32>,
    %get3A_592 = arith.constant 2 : i32
    %get3A_593 = arith.index_cast %get3A_592 : i32 to index
    %get3A_594 = arith.constant 16 : index
    %get3A_595 = tpu.vector_load %arg10[%get3A_593, %get3A_594] {strides = array<i32>} : memref<8x128xf32, #tpu.memory_space<vmem>>, vector<1x16xf32>,
    %get3A_596 = vector.shape_cast %get3A_595 : vector<1x16xf32> to vector<16xf32>
    %get3A_597 = arith.constant 2 : i32
    %get3A_598 = arith.index_cast %get3A_597 : i32 to index
    %get3A_599 = arith.constant 16 : index
    %get3A_600 = tpu.vector_load %arg11[%get3A_598, %get3A_599] {strides = array<i32>} : memref<8x128xf32, #tpu.memory_space<vmem>>, vector<1x16xf32>,
    %get3A_601 = vector.shape_cast %get3A_600 : vector<1x16xf32> to vector<16xf32>
    %add3A_602 = arith.addf %get3A_596, %get3A_601 : vector<16xf32>
    %add3A_603 = arith.addf %add3A_602, %get3A_192 : vector<16xf32>
    %swap3A_604 = arith.constant 2 : i32
    %swap3A_605 = arith.index_cast %swap3A_604 : i32 to index
    %swap3A_606 = arith.constant 16 : index
    %swap3A_607 = tpu.vector_load %arg10[%swap3A_605, %swap3A_606] {strides = array<i32>} : memref<8x128xf32, #tpu.memory_space<vmem>>, vector<1x16xf32>,
    %swap3A_608 = vector.shape_cast %swap3A_607 : vector<1x16xf32> to vector<16xf32>
    %swap3A_609 = vector.shape_cast %add3A_603 : vector<16xf32> to vector<1x16xf32>
    tpu.vector_store %arg10[%swap3A_605, %swap3A_606], %swap3A_609 {strides = array<i32>} : memref<8x128xf32, #tpu.memory_space<vmem>>, vector<1x16xf32>,
    %get3A_610 = arith.constant 2 : i32
    %get3A_611 = arith.index_cast %get3A_610 : i32 to index
    %get3A_612 = arith.constant 32 : index
    %get3A_613 = tpu.vector_load %arg10[%get3A_611, %get3A_612] {strides = array<i32>} : memref<8x128xf32, #tpu.memory_space<vmem>>, vector<1x16xf32>,
    %get3A_614 = vector.shape_cast %get3A_613 : vector<1x16xf32> to vector<16xf32>
    %get3A_615 = arith.constant 2 : i32
    %get3A_616 = arith.index_cast %get3A_615 : i32 to index
    %get3A_617 = arith.constant 32 : index
    %get3A_618 = tpu.vector_load %arg11[%get3A_616, %get3A_617] {strides = array<i32>} : memref<8x128xf32, #tpu.memory_space<vmem>>, vector<1x16xf32>,
    %get3A_619 = vector.shape_cast %get3A_618 : vector<1x16xf32> to vector<16xf32>
    %add3A_620 = arith.addf %get3A_614, %get3A_619 : vector<16xf32>
    %add3A_621 = arith.addf %add3A_620, %get3A_192 : vector<16xf32>
    %swap3A_622 = arith.constant 2 : i32
    %swap3A_623 = arith.index_cast %swap3A_622 : i32 to index
    %swap3A_624 = arith.constant 32 : index
    %swap3A_625 = tpu.vector_load %arg10[%swap3A_623, %swap3A_624] {strides = array<i32>} : memref<8x128xf32, #tpu.memory_space<vmem>>, vector<1x16xf32>,
    %swap3A_626 = vector.shape_cast %swap3A_625 : vector<1x16xf32> to vector<16xf32>
    %swap3A_627 = vector.shape_cast %add3A_621 : vector<16xf32> to vector<1x16xf32>
    tpu.vector_store %arg10[%swap3A_623, %swap3A_624], %swap3A_627 {strides = array<i32>} : memref<8x128xf32, #tpu.memory_space<vmem>>, vector<1x16xf32>,
    %get3A_628 = arith.constant 2 : i32
    %get3A_629 = arith.index_cast %get3A_628 : i32 to index
    %get3A_630 = arith.constant 48 : index
    %get3A_631 = tpu.vector_load %arg10[%get3A_629, %get3A_630] {strides = array<i32>} : memref<8x128xf32, #tpu.memory_space<vmem>>, vector<1x16xf32>,
    %get3A_632 = vector.shape_cast %get3A_631 : vector<1x16xf32> to vector<16xf32>
    %get3A_633 = arith.constant 2 : i32
    %get3A_634 = arith.index_cast %get3A_633 : i32 to index
    %get3A_635 = arith.constant 48 : index
    %get3A_636 = tpu.vector_load %arg11[%get3A_634, %get3A_635] {strides = array<i32>} : memref<8x128xf32, #tpu.memory_space<vmem>>, vector<1x16xf32>,
    %get3A_637 = vector.shape_cast %get3A_636 : vector<1x16xf32> to vector<16xf32>
    %add3A_638 = arith.addf %get3A_632, %get3A_637 : vector<16xf32>
    %add3A_639 = arith.addf %add3A_638, %get3A_192 : vector<16xf32>
    %swap3A_640 = arith.constant 2 : i32
    %swap3A_641 = arith.index_cast %swap3A_640 : i32 to index
    %swap3A_642 = arith.constant 48 : index
    %swap3A_643 = tpu.vector_load %arg10[%swap3A_641, %swap3A_642] {strides = array<i32>} : memref<8x128xf32, #tpu.memory_space<vmem>>, vector<1x16xf32>,
    %swap3A_644 = vector.shape_cast %swap3A_643 : vector<1x16xf32> to vector<16xf32>
    %swap3A_645 = vector.shape_cast %add3A_639 : vector<16xf32> to vector<1x16xf32>
    tpu.vector_store %arg10[%swap3A_641, %swap3A_642], %swap3A_645 {strides = array<i32>} : memref<8x128xf32, #tpu.memory_space<vmem>>, vector<1x16xf32>,
    %get3A_646 = arith.constant 2 : i32
    %get3A_647 = arith.index_cast %get3A_646 : i32 to index
    %get3A_648 = arith.constant 64 : index
    %get3A_649 = tpu.vector_load %arg10[%get3A_647, %get3A_648] {strides = array<i32>} : memref<8x128xf32, #tpu.memory_space<vmem>>, vector<1x16xf32>,
    %get3A_650 = vector.shape_cast %get3A_649 : vector<1x16xf32> to vector<16xf32>
    %get3A_651 = arith.constant 2 : i32
    %get3A_652 = arith.index_cast %get3A_651 : i32 to index
    %get3A_653 = arith.constant 64 : index
    %get3A_654 = tpu.vector_load %arg11[%get3A_652, %get3A_653] {strides = array<i32>} : memref<8x128xf32, #tpu.memory_space<vmem>>, vector<1x16xf32>,
    %get3A_655 = vector.shape_cast %get3A_654 : vector<1x16xf32> to vector<16xf32>
    %add3A_656 = arith.addf %get3A_650, %get3A_655 : vector<16xf32>
    %add3A_657 = arith.addf %add3A_656, %get3A_192 : vector<16xf32>
    %swap3A_658 = arith.constant 2 : i32
    %swap3A_659 = arith.index_cast %swap3A_658 : i32 to index
    %swap3A_660 = arith.constant 64 : index
    %swap3A_661 = tpu.vector_load %arg10[%swap3A_659, %swap3A_660] {strides = array<i32>} : memref<8x128xf32, #tpu.memory_space<vmem>>, vector<1x16xf32>,
    %swap3A_662 = vector.shape_cast %swap3A_661 : vector<1x16xf32> to vector<16xf32>
    %swap3A_663 = vector.shape_cast %add3A_657 : vector<16xf32> to vector<1x16xf32>
    tpu.vector_store %arg10[%swap3A_659, %swap3A_660], %swap3A_663 {strides = array<i32>} : memref<8x128xf32, #tpu.memory_space<vmem>>, vector<1x16xf32>,
    %get3A_664 = arith.constant 2 : i32
    %get3A_665 = arith.index_cast %get3A_664 : i32 to index
    %get3A_666 = arith.constant 80 : index
    %get3A_667 = tpu.vector_load %arg10[%get3A_665, %get3A_666] {strides = array<i32>} : memref<8x128xf32, #tpu.memory_space<vmem>>, vector<1x16xf32>,
    %get3A_668 = vector.shape_cast %get3A_667 : vector<1x16xf32> to vector<16xf32>
    %get3A_669 = arith.constant 2 : i32
    %get3A_670 = arith.index_cast %get3A_669 : i32 to index
    %get3A_671 = arith.constant 80 : index
    %get3A_672 = tpu.vector_load %arg11[%get3A_670, %get3A_671] {strides = array<i32>} : memref<8x128xf32, #tpu.memory_space<vmem>>, vector<1x16xf32>,
    %get3A_673 = vector.shape_cast %get3A_672 : vector<1x16xf32> to vector<16xf32>
    %add3A_674 = arith.addf %get3A_668, %get3A_673 : vector<16xf32>
    %add3A_675 = arith.addf %add3A_674, %get3A_192 : vector<16xf32>
    %swap3A_676 = arith.constant 2 : i32
    %swap3A_677 = arith.index_cast %swap3A_676 : i32 to index
    %swap3A_678 = arith.constant 80 : index
    %swap3A_679 = tpu.vector_load %arg10[%swap3A_677, %swap3A_678] {strides = array<i32>} : memref<8x128xf32, #tpu.memory_space<vmem>>, vector<1x16xf32>,
    %swap3A_680 = vector.shape_cast %swap3A_679 : vector<1x16xf32> to vector<16xf32>
    %swap3A_681 = vector.shape_cast %add3A_675 : vector<16xf32> to vector<1x16xf32>
    tpu.vector_store %arg10[%swap3A_677, %swap3A_678], %swap3A_681 {strides = array<i32>} : memref<8x128xf32, #tpu.memory_space<vmem>>, vector<1x16xf32>,
    %get3A_682 = arith.constant 2 : i32
    %get3A_683 = arith.index_cast %get3A_682 : i32 to index
    %get3A_684 = arith.constant 96 : index
    %get3A_685 = tpu.vector_load %arg10[%get3A_683, %get3A_684] {strides = array<i32>} : memref<8x128xf32, #tpu.memory_space<vmem>>, vector<1x16xf32>,
    %get3A_686 = vector.shape_cast %get3A_685 : vector<1x16xf32> to vector<16xf32>
    %get3A_687 = arith.constant 2 : i32
    %get3A_688 = arith.index_cast %get3A_687 : i32 to index
    %get3A_689 = arith.constant 96 : index
    %get3A_690 = tpu.vector_load %arg11[%get3A_688, %get3A_689] {strides = array<i32>} : memref<8x128xf32, #tpu.memory_space<vmem>>, vector<1x16xf32>,
    %get3A_691 = vector.shape_cast %get3A_690 : vector<1x16xf32> to vector<16xf32>
    %add3A_692 = arith.addf %get3A_686, %get3A_691 : vector<16xf32>
    %add3A_693 = arith.addf %add3A_692, %get3A_192 : vector<16xf32>
    %swap3A_694 = arith.constant 2 : i32
    %swap3A_695 = arith.index_cast %swap3A_694 : i32 to index
    %swap3A_696 = arith.constant 96 : index
    %swap3A_697 = tpu.vector_load %arg10[%swap3A_695, %swap3A_696] {strides = array<i32>} : memref<8x128xf32, #tpu.memory_space<vmem>>, vector<1x16xf32>,
    %swap3A_698 = vector.shape_cast %swap3A_697 : vector<1x16xf32> to vector<16xf32>
    %swap3A_699 = vector.shape_cast %add3A_693 : vector<16xf32> to vector<1x16xf32>
    tpu.vector_store %arg10[%swap3A_695, %swap3A_696], %swap3A_699 {strides = array<i32>} : memref<8x128xf32, #tpu.memory_space<vmem>>, vector<1x16xf32>,
    %get3A_700 = arith.constant 2 : i32
    %get3A_701 = arith.index_cast %get3A_700 : i32 to index
    %get3A_702 = arith.constant 112 : index
    %get3A_703 = tpu.vector_load %arg10[%get3A_701, %get3A_702] {strides = array<i32>} : memref<8x128xf32, #tpu.memory_space<vmem>>, vector<1x16xf32>,
    %get3A_704 = vector.shape_cast %get3A_703 : vector<1x16xf32> to vector<16xf32>
    %get3A_705 = arith.constant 2 : i32
    %get3A_706 = arith.index_cast %get3A_705 : i32 to index
    %get3A_707 = arith.constant 112 : index
    %get3A_708 = tpu.vector_load %arg11[%get3A_706, %get3A_707] {strides = array<i32>} : memref<8x128xf32, #tpu.memory_space<vmem>>, vector<1x16xf32>,
    %get3A_709 = vector.shape_cast %get3A_708 : vector<1x16xf32> to vector<16xf32>
    %add3A_710 = arith.addf %get3A_704, %get3A_709 : vector<16xf32>
    %add3A_711 = arith.addf %add3A_710, %get3A_192 : vector<16xf32>
    %swap3A_712 = arith.constant 2 : i32
    %swap3A_713 = arith.index_cast %swap3A_712 : i32 to index
    %swap3A_714 = arith.constant 112 : index
    %swap3A_715 = tpu.vector_load %arg10[%swap3A_713, %swap3A_714] {strides = array<i32>} : memref<8x128xf32, #tpu.memory_space<vmem>>, vector<1x16xf32>,
    %swap3A_716 = vector.shape_cast %swap3A_715 : vector<1x16xf32> to vector<16xf32>
    %swap3A_717 = vector.shape_cast %add3A_711 : vector<16xf32> to vector<1x16xf32>
    tpu.vector_store %arg10[%swap3A_713, %swap3A_714], %swap3A_717 {strides = array<i32>} : memref<8x128xf32, #tpu.memory_space<vmem>>, vector<1x16xf32>,
    %get3A_718 = arith.constant 3 : i32
    %get3A_719 = arith.index_cast %get3A_718 : i32 to index
    %get3A_720 = arith.constant 0 : index
    %get3A_721 = tpu.vector_load %arg10[%get3A_719, %get3A_720] {strides = array<i32>} : memref<8x128xf32, #tpu.memory_space<vmem>>, vector<1x16xf32>,
    %get3A_722 = vector.shape_cast %get3A_721 : vector<1x16xf32> to vector<16xf32>
    %get3A_723 = arith.constant 3 : i32
    %get3A_724 = arith.index_cast %get3A_723 : i32 to index
    %get3A_725 = arith.constant 0 : index
    %get3A_726 = tpu.vector_load %arg11[%get3A_724, %get3A_725] {strides = array<i32>} : memref<8x128xf32, #tpu.memory_space<vmem>>, vector<1x16xf32>,
    %get3A_727 = vector.shape_cast %get3A_726 : vector<1x16xf32> to vector<16xf32>
    %add3A_728 = arith.addf %get3A_722, %get3A_727 : vector<16xf32>
    %add3A_729 = arith.addf %add3A_728, %get3A_192 : vector<16xf32>
    %swap3A_730 = arith.constant 3 : i32
    %swap3A_731 = arith.index_cast %swap3A_730 : i32 to index
    %swap3A_732 = arith.constant 0 : index
    %swap3A_733 = tpu.vector_load %arg10[%swap3A_731, %swap3A_732] {strides = array<i32>} : memref<8x128xf32, #tpu.memory_space<vmem>>, vector<1x16xf32>,
    %swap3A_734 = vector.shape_cast %swap3A_733 : vector<1x16xf32> to vector<16xf32>
    %swap3A_735 = vector.shape_cast %add3A_729 : vector<16xf32> to vector<1x16xf32>
    tpu.vector_store %arg10[%swap3A_731, %swap3A_732], %swap3A_735 {strides = array<i32>} : memref<8x128xf32, #tpu.memory_space<vmem>>, vector<1x16xf32>,
    %get3A_736 = arith.constant 3 : i32
    %get3A_737 = arith.index_cast %get3A_736 : i32 to index
    %get3A_738 = arith.constant 16 : index
    %get3A_739 = tpu.vector_load %arg10[%get3A_737, %get3A_738] {strides = array<i32>} : memref<8x128xf32, #tpu.memory_space<vmem>>, vector<1x16xf32>,
    %get3A_740 = vector.shape_cast %get3A_739 : vector<1x16xf32> to vector<16xf32>
    %get3A_741 = arith.constant 3 : i32
    %get3A_742 = arith.index_cast %get3A_741 : i32 to index
    %get3A_743 = arith.constant 16 : index
    %get3A_744 = tpu.vector_load %arg11[%get3A_742, %get3A_743] {strides = array<i32>} : memref<8x128xf32, #tpu.memory_space<vmem>>, vector<1x16xf32>,
    %get3A_745 = vector.shape_cast %get3A_744 : vector<1x16xf32> to vector<16xf32>
    %add3A_746 = arith.addf %get3A_740, %get3A_745 : vector<16xf32>
    %add3A_747 = arith.addf %add3A_746, %get3A_192 : vector<16xf32>
    %swap3A_748 = arith.constant 3 : i32
    %swap3A_749 = arith.index_cast %swap3A_748 : i32 to index
    %swap3A_750 = arith.constant 16 : index
    %swap3A_751 = tpu.vector_load %arg10[%swap3A_749, %swap3A_750] {strides = array<i32>} : memref<8x128xf32, #tpu.memory_space<vmem>>, vector<1x16xf32>,
    %swap3A_752 = vector.shape_cast %swap3A_751 : vector<1x16xf32> to vector<16xf32>
    %swap3A_753 = vector.shape_cast %add3A_747 : vector<16xf32> to vector<1x16xf32>
    tpu.vector_store %arg10[%swap3A_749, %swap3A_750], %swap3A_753 {strides = array<i32>} : memref<8x128xf32, #tpu.memory_space<vmem>>, vector<1x16xf32>,
    %get3A_754 = arith.constant 3 : i32
    %get3A_755 = arith.index_cast %get3A_754 : i32 to index
    %get3A_756 = arith.constant 32 : index
    %get3A_757 = tpu.vector_load %arg10[%get3A_755, %get3A_756] {strides = array<i32>} : memref<8x128xf32, #tpu.memory_space<vmem>>, vector<1x16xf32>,
    %get3A_758 = vector.shape_cast %get3A_757 : vector<1x16xf32> to vector<16xf32>
    %get3A_759 = arith.constant 3 : i32
    %get3A_760 = arith.index_cast %get3A_759 : i32 to index
    %get3A_761 = arith.constant 32 : index
    %get3A_762 = tpu.vector_load %arg11[%get3A_760, %get3A_761] {strides = array<i32>} : memref<8x128xf32, #tpu.memory_space<vmem>>, vector<1x16xf32>,
    %get3A_763 = vector.shape_cast %get3A_762 : vector<1x16xf32> to vector<16xf32>
    %add3A_764 = arith.addf %get3A_758, %get3A_763 : vector<16xf32>
    %add3A_765 = arith.addf %add3A_764, %get3A_192 : vector<16xf32>
    %swap3A_766 = arith.constant 3 : i32
    %swap3A_767 = arith.index_cast %swap3A_766 : i32 to index
    %swap3A_768 = arith.constant 32 : index
    %swap3A_769 = tpu.vector_load %arg10[%swap3A_767, %swap3A_768] {strides = array<i32>} : memref<8x128xf32, #tpu.memory_space<vmem>>, vector<1x16xf32>,
    %swap3A_770 = vector.shape_cast %swap3A_769 : vector<1x16xf32> to vector<16xf32>
    %swap3A_771 = vector.shape_cast %add3A_765 : vector<16xf32> to vector<1x16xf32>
    tpu.vector_store %arg10[%swap3A_767, %swap3A_768], %swap3A_771 {strides = array<i32>} : memref<8x128xf32, #tpu.memory_space<vmem>>, vector<1x16xf32>,
    %get3A_772 = arith.constant 3 : i32
    %get3A_773 = arith.index_cast %get3A_772 : i32 to index
    %get3A_774 = arith.constant 48 : index
    %get3A_775 = tpu.vector_load %arg10[%get3A_773, %get3A_774] {strides = array<i32>} : memref<8x128xf32, #tpu.memory_space<vmem>>, vector<1x16xf32>,
    %get3A_776 = vector.shape_cast %get3A_775 : vector<1x16xf32> to vector<16xf32>
    %get3A_777 = arith.constant 3 : i32
    %get3A_778 = arith.index_cast %get3A_777 : i32 to index
    %get3A_779 = arith.constant 48 : index
    %get3A_780 = tpu.vector_load %arg11[%get3A_778, %get3A_779] {strides = array<i32>} : memref<8x128xf32, #tpu.memory_space<vmem>>, vector<1x16xf32>,
    %get3A_781 = vector.shape_cast %get3A_780 : vector<1x16xf32> to vector<16xf32>
    %add3A_782 = arith.addf %get3A_776, %get3A_781 : vector<16xf32>
    %add3A_783 = arith.addf %add3A_782, %get3A_192 : vector<16xf32>
    %swap3A_784 = arith.constant 3 : i32
    %swap3A_785 = arith.index_cast %swap3A_784 : i32 to index
    %swap3A_786 = arith.constant 48 : index
    %swap3A_787 = tpu.vector_load %arg10[%swap3A_785, %swap3A_786] {strides = array<i32>} : memref<8x128xf32, #tpu.memory_space<vmem>>, vector<1x16xf32>,
    %swap3A_788 = vector.shape_cast %swap3A_787 : vector<1x16xf32> to vector<16xf32>
    %swap3A_789 = vector.shape_cast %add3A_783 : vector<16xf32> to vector<1x16xf32>
    tpu.vector_store %arg10[%swap3A_785, %swap3A_786], %swap3A_789 {strides = array<i32>} : memref<8x128xf32, #tpu.memory_space<vmem>>, vector<1x16xf32>,
    %get3A_790 = arith.constant 3 : i32
    %get3A_791 = arith.index_cast %get3A_790 : i32 to index
    %get3A_792 = arith.constant 64 : index
    %get3A_793 = tpu.vector_load %arg10[%get3A_791, %get3A_792] {strides = array<i32>} : memref<8x128xf32, #tpu.memory_space<vmem>>, vector<1x16xf32>,
    %get3A_794 = vector.shape_cast %get3A_793 : vector<1x16xf32> to vector<16xf32>
    %get3A_795 = arith.constant 3 : i32
    %get3A_796 = arith.index_cast %get3A_795 : i32 to index
    %get3A_797 = arith.constant 64 : index
    %get3A_798 = tpu.vector_load %arg11[%get3A_796, %get3A_797] {strides = array<i32>} : memref<8x128xf32, #tpu.memory_space<vmem>>, vector<1x16xf32>,
    %get3A_799 = vector.shape_cast %get3A_798 : vector<1x16xf32> to vector<16xf32>
    %add3A_800 = arith.addf %get3A_794, %get3A_799 : vector<16xf32>
    %add3A_801 = arith.addf %add3A_800, %get3A_192 : vector<16xf32>
    %swap3A_802 = arith.constant 3 : i32
    %swap3A_803 = arith.index_cast %swap3A_802 : i32 to index
    %swap3A_804 = arith.constant 64 : index
    %swap3A_805 = tpu.vector_load %arg10[%swap3A_803, %swap3A_804] {strides = array<i32>} : memref<8x128xf32, #tpu.memory_space<vmem>>, vector<1x16xf32>,
    %swap3A_806 = vector.shape_cast %swap3A_805 : vector<1x16xf32> to vector<16xf32>
    %swap3A_807 = vector.shape_cast %add3A_801 : vector<16xf32> to vector<1x16xf32>
    tpu.vector_store %arg10[%swap3A_803, %swap3A_804], %swap3A_807 {strides = array<i32>} : memref<8x128xf32, #tpu.memory_space<vmem>>, vector<1x16xf32>,
    %get3A_808 = arith.constant 3 : i32
    %get3A_809 = arith.index_cast %get3A_808 : i32 to index
    %get3A_810 = arith.constant 80 : index
    %get3A_811 = tpu.vector_load %arg10[%get3A_809, %get3A_810] {strides = array<i32>} : memref<8x128xf32, #tpu.memory_space<vmem>>, vector<1x16xf32>,
    %get3A_812 = vector.shape_cast %get3A_811 : vector<1x16xf32> to vector<16xf32>
    %get3A_813 = arith.constant 3 : i32
    %get3A_814 = arith.index_cast %get3A_813 : i32 to index
    %get3A_815 = arith.constant 80 : index
    %get3A_816 = tpu.vector_load %arg11[%get3A_814, %get3A_815] {strides = array<i32>} : memref<8x128xf32, #tpu.memory_space<vmem>>, vector<1x16xf32>,
    %get3A_817 = vector.shape_cast %get3A_816 : vector<1x16xf32> to vector<16xf32>
    %add3A_818 = arith.addf %get3A_812, %get3A_817 : vector<16xf32>
    %add3A_819 = arith.addf %add3A_818, %get3A_192 : vector<16xf32>
    %swap3A_820 = arith.constant 3 : i32
    %swap3A_821 = arith.index_cast %swap3A_820 : i32 to index
    %swap3A_822 = arith.constant 80 : index
    %swap3A_823 = tpu.vector_load %arg10[%swap3A_821, %swap3A_822] {strides = array<i32>} : memref<8x128xf32, #tpu.memory_space<vmem>>, vector<1x16xf32>,
    %swap3A_824 = vector.shape_cast %swap3A_823 : vector<1x16xf32> to vector<16xf32>
    %swap3A_825 = vector.shape_cast %add3A_819 : vector<16xf32> to vector<1x16xf32>
    tpu.vector_store %arg10[%swap3A_821, %swap3A_822], %swap3A_825 {strides = array<i32>} : memref<8x128xf32, #tpu.memory_space<vmem>>, vector<1x16xf32>,
    %get3A_826 = arith.constant 3 : i32
    %get3A_827 = arith.index_cast %get3A_826 : i32 to index
    %get3A_828 = arith.constant 96 : index
    %get3A_829 = tpu.vector_load %arg10[%get3A_827, %get3A_828] {strides = array<i32>} : memref<8x128xf32, #tpu.memory_space<vmem>>, vector<1x16xf32>,
    %get3A_830 = vector.shape_cast %get3A_829 : vector<1x16xf32> to vector<16xf32>
    %get3A_831 = arith.constant 3 : i32
    %get3A_832 = arith.index_cast %get3A_831 : i32 to index
    %get3A_833 = arith.constant 96 : index
    %get3A_834 = tpu.vector_load %arg11[%get3A_832, %get3A_833] {strides = array<i32>} : memref<8x128xf32, #tpu.memory_space<vmem>>, vector<1x16xf32>,
    %get3A_835 = vector.shape_cast %get3A_834 : vector<1x16xf32> to vector<16xf32>
    %add3A_836 = arith.addf %get3A_830, %get3A_835 : vector<16xf32>
    %add3A_837 = arith.addf %add3A_836, %get3A_192 : vector<16xf32>
    %swap3A_838 = arith.constant 3 : i32
    %swap3A_839 = arith.index_cast %swap3A_838 : i32 to index
    %swap3A_840 = arith.constant 96 : index
    %swap3A_841 = tpu.vector_load %arg10[%swap3A_839, %swap3A_840] {strides = array<i32>} : memref<8x128xf32, #tpu.memory_space<vmem>>, vector<1x16xf32>,
    %swap3A_842 = vector.shape_cast %swap3A_841 : vector<1x16xf32> to vector<16xf32>
    %swap3A_843 = vector.shape_cast %add3A_837 : vector<16xf32> to vector<1x16xf32>
    tpu.vector_store %arg10[%swap3A_839, %swap3A_840], %swap3A_843 {strides = array<i32>} : memref<8x128xf32, #tpu.memory_space<vmem>>, vector<1x16xf32>,
    %get3A_844 = arith.constant 3 : i32
    %get3A_845 = arith.index_cast %get3A_844 : i32 to index
    %get3A_846 = arith.constant 112 : index
    %get3A_847 = tpu.vector_load %arg10[%get3A_845, %get3A_846] {strides = array<i32>} : memref<8x128xf32, #tpu.memory_space<vmem>>, vector<1x16xf32>,
    %get3A_848 = vector.shape_cast %get3A_847 : vector<1x16xf32> to vector<16xf32>
    %get3A_849 = arith.constant 3 : i32
    %get3A_850 = arith.index_cast %get3A_849 : i32 to index
    %get3A_851 = arith.constant 112 : index
    %get3A_852 = tpu.vector_load %arg11[%get3A_850, %get3A_851] {strides = array<i32>} : memref<8x128xf32, #tpu.memory_space<vmem>>, vector<1x16xf32>,
    %get3A_853 = vector.shape_cast %get3A_852 : vector<1x16xf32> to vector<16xf32>
    %add3A_854 = arith.addf %get3A_848, %get3A_853 : vector<16xf32>
    %add3A_855 = arith.addf %add3A_854, %get3A_192 : vector<16xf32>
    %swap3A_856 = arith.constant 3 : i32
    %swap3A_857 = arith.index_cast %swap3A_856 : i32 to index
    %swap3A_858 = arith.constant 112 : index
    %swap3A_859 = tpu.vector_load %arg10[%swap3A_857, %swap3A_858] {strides = array<i32>} : memref<8x128xf32, #tpu.memory_space<vmem>>, vector<1x16xf32>,
    %swap3A_860 = vector.shape_cast %swap3A_859 : vector<1x16xf32> to vector<16xf32>
    %swap3A_861 = vector.shape_cast %add3A_855 : vector<16xf32> to vector<1x16xf32>
    tpu.vector_store %arg10[%swap3A_857, %swap3A_858], %swap3A_861 {strides = array<i32>} : memref<8x128xf32, #tpu.memory_space<vmem>>, vector<1x16xf32>,
    %dma_start3A_862 = arith.constant 2 : i32
    %dma_start3A_863 = arith.constant 0 : i32
    %dma_start3A_864 = tpu.memref_slice %arg10[%dma_start3A_862, %dma_start3A_863] : memref<8x128xf32, #tpu.memory_space<vmem>> -> memref<2x128xf32, #tpu.memory_space<vmem>>
    %dma_start3A_865 = arith.constant 2 : i32
    %dma_start3A_866 = arith.constant 0 : i32
    %dma_start3A_867 = tpu.memref_slice %arg7[%add3A, %dma_start3A_865, %dma_start3A_866] : memref<16x8x128xf32, #tpu.memory_space<hbm>> -> memref<1x2x128xf32, #tpu.memory_space<hbm>>
    %dma_start3A_868 = tpu.memref_squeeze %dma_start3A_867 : memref<1x2x128xf32, #tpu.memory_space<hbm>> -> memref<2x128xf32, #tpu.memory_space<hbm>>
    %dma_start3A_869 = arith.constant 2 : i32
    %dma_start3A_870 = arith.constant 0 : i32
    %dma_start3A_871 = tpu.memref_slice %arg7[%add3A, %dma_start3A_869, %dma_start3A_870] : memref<16x8x128xf32, #tpu.memory_space<hbm>> -> memref<1x2x128xf32, #tpu.memory_space<hbm>>
    %dma_start3A_872 = tpu.memref_squeeze %dma_start3A_871 : memref<1x2x128xf32, #tpu.memory_space<hbm>> -> memref<2x128xf32, #tpu.memory_space<hbm>>
    %dma_start3A_873 = arith.constant 2 : i32
    %dma_start3A_874 = arith.constant 0 : i32
    %dma_start3A_875 = tpu.memref_slice %arg10[%dma_start3A_873, %dma_start3A_874] : memref<8x128xf32, #tpu.memory_space<vmem>> -> memref<2x128xf32, #tpu.memory_space<vmem>>
    tpu.enqueue_dma source(%dma_start3A_875 : memref<2x128xf32, #tpu.memory_space<vmem>>) target(%dma_start3A_872 : memref<2x128xf32, #tpu.memory_space<hbm>>) target_semaphore(%arg18 : memref<!tpu.dma_semaphore, #tpu.memory_space<semaphore_mem>>)
    %dma_wait3A_876 = arith.constant 4 : i32
    %dma_wait3A_877 = arith.constant 4 : i32
    %dma_wait3A_878 = arith.constant 0 : i32
    %dma_wait3A_879 = tpu.memref_slice %arg10[%dma_wait3A_877, %dma_wait3A_878] : memref<8x128xf32, #tpu.memory_space<vmem>> -> memref<1x128xf32, #tpu.memory_space<vmem>>
    %dma_wait3A_880 = tpu.memref_squeeze %dma_wait3A_879 : memref<1x128xf32, #tpu.memory_space<vmem>> -> memref<128xf32, #tpu.memory_space<vmem>>
    %dma_wait3A_881 = arith.constant 0 : i32
    %dma_wait3A_882 = tpu.memref_slice %arg8[%dma_wait3A_876, %dma_wait3A_881] : memref<8x128xi32, #tpu.memory_space<vmem>> -> memref<1x128xi32, #tpu.memory_space<vmem>>
    %dma_wait3A_883 = tpu.memref_squeeze %dma_wait3A_882 : memref<1x128xi32, #tpu.memory_space<vmem>> -> memref<128xi32, #tpu.memory_space<vmem>>
    %dma_wait3A_884 = arith.constant 0 : i32
    %dma_wait3A_885 = tpu.memref_slice %arg4[%dma_wait3A_884] : memref<1000000xf32, #tpu.memory_space<hbm>> -> memref<1000000xf32, #tpu.memory_space<hbm>>
    tpu.wait_indirect_dma semaphore(%arg16 : memref<!tpu.dma_semaphore, #tpu.memory_space<semaphore_mem>>) src(%dma_wait3A_885 : memref<1000000xf32, #tpu.memory_space<hbm>>) dst(%dma_wait3A_880 : memref<128xf32, #tpu.memory_space<vmem>>)
    %dma_wait3A_886 = arith.constant 4 : i32
    %dma_wait3A_887 = arith.constant 4 : i32
    %dma_wait3A_888 = arith.constant 0 : i32
    %dma_wait3A_889 = tpu.memref_slice %arg11[%dma_wait3A_887, %dma_wait3A_888] : memref<8x128xf32, #tpu.memory_space<vmem>> -> memref<1x128xf32, #tpu.memory_space<vmem>>
    %dma_wait3A_890 = tpu.memref_squeeze %dma_wait3A_889 : memref<1x128xf32, #tpu.memory_space<vmem>> -> memref<128xf32, #tpu.memory_space<vmem>>
    %dma_wait3A_891 = arith.constant 0 : i32
    %dma_wait3A_892 = tpu.memref_slice %arg9[%dma_wait3A_886, %dma_wait3A_891] : memref<8x128xi32, #tpu.memory_space<vmem>> -> memref<1x128xi32, #tpu.memory_space<vmem>>
    %dma_wait3A_893 = tpu.memref_squeeze %dma_wait3A_892 : memref<1x128xi32, #tpu.memory_space<vmem>> -> memref<128xi32, #tpu.memory_space<vmem>>
    %dma_wait3A_894 = arith.constant 0 : i32
    %dma_wait3A_895 = tpu.memref_slice %arg5[%dma_wait3A_894] : memref<100000xf32, #tpu.memory_space<hbm>> -> memref<100000xf32, #tpu.memory_space<hbm>>
    tpu.wait_indirect_dma semaphore(%arg16 : memref<!tpu.dma_semaphore, #tpu.memory_space<semaphore_mem>>) src(%dma_wait3A_895 : memref<100000xf32, #tpu.memory_space<hbm>>) dst(%dma_wait3A_890 : memref<128xf32, #tpu.memory_space<vmem>>)
    %dma_wait3A_896 = arith.constant 5 : i32
    %dma_wait3A_897 = arith.constant 5 : i32
    %dma_wait3A_898 = arith.constant 0 : i32
    %dma_wait3A_899 = tpu.memref_slice %arg10[%dma_wait3A_897, %dma_wait3A_898] : memref<8x128xf32, #tpu.memory_space<vmem>> -> memref<1x128xf32, #tpu.memory_space<vmem>>
    %dma_wait3A_900 = tpu.memref_squeeze %dma_wait3A_899 : memref<1x128xf32, #tpu.memory_space<vmem>> -> memref<128xf32, #tpu.memory_space<vmem>>
    %dma_wait3A_901 = arith.constant 0 : i32
    %dma_wait3A_902 = tpu.memref_slice %arg8[%dma_wait3A_896, %dma_wait3A_901] : memref<8x128xi32, #tpu.memory_space<vmem>> -> memref<1x128xi32, #tpu.memory_space<vmem>>
    %dma_wait3A_903 = tpu.memref_squeeze %dma_wait3A_902 : memref<1x128xi32, #tpu.memory_space<vmem>> -> memref<128xi32, #tpu.memory_space<vmem>>
    %dma_wait3A_904 = arith.constant 0 : i32
    %dma_wait3A_905 = tpu.memref_slice %arg4[%dma_wait3A_904] : memref<1000000xf32, #tpu.memory_space<hbm>> -> memref<1000000xf32, #tpu.memory_space<hbm>>
    tpu.wait_indirect_dma semaphore(%arg16 : memref<!tpu.dma_semaphore, #tpu.memory_space<semaphore_mem>>) src(%dma_wait3A_905 : memref<1000000xf32, #tpu.memory_space<hbm>>) dst(%dma_wait3A_900 : memref<128xf32, #tpu.memory_space<vmem>>)
    %dma_wait3A_906 = arith.constant 5 : i32
    %dma_wait3A_907 = arith.constant 5 : i32
    %dma_wait3A_908 = arith.constant 0 : i32
    %dma_wait3A_909 = tpu.memref_slice %arg11[%dma_wait3A_907, %dma_wait3A_908] : memref<8x128xf32, #tpu.memory_space<vmem>> -> memref<1x128xf32, #tpu.memory_space<vmem>>
    %dma_wait3A_910 = tpu.memref_squeeze %dma_wait3A_909 : memref<1x128xf32, #tpu.memory_space<vmem>> -> memref<128xf32, #tpu.memory_space<vmem>>
    %dma_wait3A_911 = arith.constant 0 : i32
    %dma_wait3A_912 = tpu.memref_slice %arg9[%dma_wait3A_906, %dma_wait3A_911] : memref<8x128xi32, #tpu.memory_space<vmem>> -> memref<1x128xi32, #tpu.memory_space<vmem>>
    %dma_wait3A_913 = tpu.memref_squeeze %dma_wait3A_912 : memref<1x128xi32, #tpu.memory_space<vmem>> -> memref<128xi32, #tpu.memory_space<vmem>>
    %dma_wait3A_914 = arith.constant 0 : i32
    %dma_wait3A_915 = tpu.memref_slice %arg5[%dma_wait3A_914] : memref<100000xf32, #tpu.memory_space<hbm>> -> memref<100000xf32, #tpu.memory_space<hbm>>
    tpu.wait_indirect_dma semaphore(%arg16 : memref<!tpu.dma_semaphore, #tpu.memory_space<semaphore_mem>>) src(%dma_wait3A_915 : memref<100000xf32, #tpu.memory_space<hbm>>) dst(%dma_wait3A_910 : memref<128xf32, #tpu.memory_space<vmem>>)
    %get3A_916 = arith.constant 4 : i32
    %get3A_917 = arith.index_cast %get3A_916 : i32 to index
    %get3A_918 = arith.constant 0 : index
    %get3A_919 = tpu.vector_load %arg10[%get3A_917, %get3A_918] {strides = array<i32>} : memref<8x128xf32, #tpu.memory_space<vmem>>, vector<1x16xf32>,
    %get3A_920 = vector.shape_cast %get3A_919 : vector<1x16xf32> to vector<16xf32>
    %get3A_921 = arith.constant 4 : i32
    %get3A_922 = arith.index_cast %get3A_921 : i32 to index
    %get3A_923 = arith.constant 0 : index
    %get3A_924 = tpu.vector_load %arg11[%get3A_922, %get3A_923] {strides = array<i32>} : memref<8x128xf32, #tpu.memory_space<vmem>>, vector<1x16xf32>,
    %get3A_925 = vector.shape_cast %get3A_924 : vector<1x16xf32> to vector<16xf32>
    %add3A_926 = arith.addf %get3A_920, %get3A_925 : vector<16xf32>
    %add3A_927 = arith.addf %add3A_926, %get3A_192 : vector<16xf32>
    %swap3A_928 = arith.constant 4 : i32
    %swap3A_929 = arith.index_cast %swap3A_928 : i32 to index
    %swap3A_930 = arith.constant 0 : index
    %swap3A_931 = tpu.vector_load %arg10[%swap3A_929, %swap3A_930] {strides = array<i32>} : memref<8x128xf32, #tpu.memory_space<vmem>>, vector<1x16xf32>,
    %swap3A_932 = vector.shape_cast %swap3A_931 : vector<1x16xf32> to vector<16xf32>
    %swap3A_933 = vector.shape_cast %add3A_927 : vector<16xf32> to vector<1x16xf32>
    tpu.vector_store %arg10[%swap3A_929, %swap3A_930], %swap3A_933 {strides = array<i32>} : memref<8x128xf32, #tpu.memory_space<vmem>>, vector<1x16xf32>,
    %get3A_934 = arith.constant 4 : i32
    %get3A_935 = arith.index_cast %get3A_934 : i32 to index
    %get3A_936 = arith.constant 16 : index
    %get3A_937 = tpu.vector_load %arg10[%get3A_935, %get3A_936] {strides = array<i32>} : memref<8x128xf32, #tpu.memory_space<vmem>>, vector<1x16xf32>,
    %get3A_938 = vector.shape_cast %get3A_937 : vector<1x16xf32> to vector<16xf32>
    %get3A_939 = arith.constant 4 : i32
    %get3A_940 = arith.index_cast %get3A_939 : i32 to index
    %get3A_941 = arith.constant 16 : index
    %get3A_942 = tpu.vector_load %arg11[%get3A_940, %get3A_941] {strides = array<i32>} : memref<8x128xf32, #tpu.memory_space<vmem>>, vector<1x16xf32>,
    %get3A_943 = vector.shape_cast %get3A_942 : vector<1x16xf32> to vector<16xf32>
    %add3A_944 = arith.addf %get3A_938, %get3A_943 : vector<16xf32>
    %add3A_945 = arith.addf %add3A_944, %get3A_192 : vector<16xf32>
    %swap3A_946 = arith.constant 4 : i32
    %swap3A_947 = arith.index_cast %swap3A_946 : i32 to index
    %swap3A_948 = arith.constant 16 : index
    %swap3A_949 = tpu.vector_load %arg10[%swap3A_947, %swap3A_948] {strides = array<i32>} : memref<8x128xf32, #tpu.memory_space<vmem>>, vector<1x16xf32>,
    %swap3A_950 = vector.shape_cast %swap3A_949 : vector<1x16xf32> to vector<16xf32>
    %swap3A_951 = vector.shape_cast %add3A_945 : vector<16xf32> to vector<1x16xf32>
    tpu.vector_store %arg10[%swap3A_947, %swap3A_948], %swap3A_951 {strides = array<i32>} : memref<8x128xf32, #tpu.memory_space<vmem>>, vector<1x16xf32>,
    %get3A_952 = arith.constant 4 : i32
    %get3A_953 = arith.index_cast %get3A_952 : i32 to index
    %get3A_954 = arith.constant 32 : index
    %get3A_955 = tpu.vector_load %arg10[%get3A_953, %get3A_954] {strides = array<i32>} : memref<8x128xf32, #tpu.memory_space<vmem>>, vector<1x16xf32>,
    %get3A_956 = vector.shape_cast %get3A_955 : vector<1x16xf32> to vector<16xf32>
    %get3A_957 = arith.constant 4 : i32
    %get3A_958 = arith.index_cast %get3A_957 : i32 to index
    %get3A_959 = arith.constant 32 : index
    %get3A_960 = tpu.vector_load %arg11[%get3A_958, %get3A_959] {strides = array<i32>} : memref<8x128xf32, #tpu.memory_space<vmem>>, vector<1x16xf32>,
    %get3A_961 = vector.shape_cast %get3A_960 : vector<1x16xf32> to vector<16xf32>
    %add3A_962 = arith.addf %get3A_956, %get3A_961 : vector<16xf32>
    %add3A_963 = arith.addf %add3A_962, %get3A_192 : vector<16xf32>
    %swap3A_964 = arith.constant 4 : i32
    %swap3A_965 = arith.index_cast %swap3A_964 : i32 to index
    %swap3A_966 = arith.constant 32 : index
    %swap3A_967 = tpu.vector_load %arg10[%swap3A_965, %swap3A_966] {strides = array<i32>} : memref<8x128xf32, #tpu.memory_space<vmem>>, vector<1x16xf32>,
    %swap3A_968 = vector.shape_cast %swap3A_967 : vector<1x16xf32> to vector<16xf32>
    %swap3A_969 = vector.shape_cast %add3A_963 : vector<16xf32> to vector<1x16xf32>
    tpu.vector_store %arg10[%swap3A_965, %swap3A_966], %swap3A_969 {strides = array<i32>} : memref<8x128xf32, #tpu.memory_space<vmem>>, vector<1x16xf32>,
    %get3A_970 = arith.constant 4 : i32
    %get3A_971 = arith.index_cast %get3A_970 : i32 to index
    %get3A_972 = arith.constant 48 : index
    %get3A_973 = tpu.vector_load %arg10[%get3A_971, %get3A_972] {strides = array<i32>} : memref<8x128xf32, #tpu.memory_space<vmem>>, vector<1x16xf32>,
    %get3A_974 = vector.shape_cast %get3A_973 : vector<1x16xf32> to vector<16xf32>
    %get3A_975 = arith.constant 4 : i32
    %get3A_976 = arith.index_cast %get3A_975 : i32 to index
    %get3A_977 = arith.constant 48 : index
    %get3A_978 = tpu.vector_load %arg11[%get3A_976, %get3A_977] {strides = array<i32>} : memref<8x128xf32, #tpu.memory_space<vmem>>, vector<1x16xf32>,
    %get3A_979 = vector.shape_cast %get3A_978 : vector<1x16xf32> to vector<16xf32>
    %add3A_980 = arith.addf %get3A_974, %get3A_979 : vector<16xf32>
    %add3A_981 = arith.addf %add3A_980, %get3A_192 : vector<16xf32>
    %swap3A_982 = arith.constant 4 : i32
    %swap3A_983 = arith.index_cast %swap3A_982 : i32 to index
    %swap3A_984 = arith.constant 48 : index
    %swap3A_985 = tpu.vector_load %arg10[%swap3A_983, %swap3A_984] {strides = array<i32>} : memref<8x128xf32, #tpu.memory_space<vmem>>, vector<1x16xf32>,
    %swap3A_986 = vector.shape_cast %swap3A_985 : vector<1x16xf32> to vector<16xf32>
    %swap3A_987 = vector.shape_cast %add3A_981 : vector<16xf32> to vector<1x16xf32>
    tpu.vector_store %arg10[%swap3A_983, %swap3A_984], %swap3A_987 {strides = array<i32>} : memref<8x128xf32, #tpu.memory_space<vmem>>, vector<1x16xf32>,
    %get3A_988 = arith.constant 4 : i32
    %get3A_989 = arith.index_cast %get3A_988 : i32 to index
    %get3A_990 = arith.constant 64 : index
    %get3A_991 = tpu.vector_load %arg10[%get3A_989, %get3A_990] {strides = array<i32>} : memref<8x128xf32, #tpu.memory_space<vmem>>, vector<1x16xf32>,
    %get3A_992 = vector.shape_cast %get3A_991 : vector<1x16xf32> to vector<16xf32>
    %get3A_993 = arith.constant 4 : i32
    %get3A_994 = arith.index_cast %get3A_993 : i32 to index
    %get3A_995 = arith.constant 64 : index
    %get3A_996 = tpu.vector_load %arg11[%get3A_994, %get3A_995] {strides = array<i32>} : memref<8x128xf32, #tpu.memory_space<vmem>>, vector<1x16xf32>,
    %get3A_997 = vector.shape_cast %get3A_996 : vector<1x16xf32> to vector<16xf32>
    %add3A_998 = arith.addf %get3A_992, %get3A_997 : vector<16xf32>
    %add3A_999 = arith.addf %add3A_998, %get3A_192 : vector<16xf32>
    %swap3A_1000 = arith.constant 4 : i32
    %swap3A_1001 = arith.index_cast %swap3A_1000 : i32 to index
    %swap3A_1002 = arith.constant 64 : index
    %swap3A_1003 = tpu.vector_load %arg10[%swap3A_1001, %swap3A_1002] {strides = array<i32>} : memref<8x128xf32, #tpu.memory_space<vmem>>, vector<1x16xf32>,
    %swap3A_1004 = vector.shape_cast %swap3A_1003 : vector<1x16xf32> to vector<16xf32>
    %swap3A_1005 = vector.shape_cast %add3A_999 : vector<16xf32> to vector<1x16xf32>
    tpu.vector_store %arg10[%swap3A_1001, %swap3A_1002], %swap3A_1005 {strides = array<i32>} : memref<8x128xf32, #tpu.memory_space<vmem>>, vector<1x16xf32>,
    %get3A_1006 = arith.constant 4 : i32
    %get3A_1007 = arith.index_cast %get3A_1006 : i32 to index
    %get3A_1008 = arith.constant 80 : index
    %get3A_1009 = tpu.vector_load %arg10[%get3A_1007, %get3A_1008] {strides = array<i32>} : memref<8x128xf32, #tpu.memory_space<vmem>>, vector<1x16xf32>,
    %get3A_1010 = vector.shape_cast %get3A_1009 : vector<1x16xf32> to vector<16xf32>
    %get3A_1011 = arith.constant 4 : i32
    %get3A_1012 = arith.index_cast %get3A_1011 : i32 to index
    %get3A_1013 = arith.constant 80 : index
    %get3A_1014 = tpu.vector_load %arg11[%get3A_1012, %get3A_1013] {strides = array<i32>} : memref<8x128xf32, #tpu.memory_space<vmem>>, vector<1x16xf32>,
    %get3A_1015 = vector.shape_cast %get3A_1014 : vector<1x16xf32> to vector<16xf32>
    %add3A_1016 = arith.addf %get3A_1010, %get3A_1015 : vector<16xf32>
    %add3A_1017 = arith.addf %add3A_1016, %get3A_192 : vector<16xf32>
    %swap3A_1018 = arith.constant 4 : i32
    %swap3A_1019 = arith.index_cast %swap3A_1018 : i32 to index
    %swap3A_1020 = arith.constant 80 : index
    %swap3A_1021 = tpu.vector_load %arg10[%swap3A_1019, %swap3A_1020] {strides = array<i32>} : memref<8x128xf32, #tpu.memory_space<vmem>>, vector<1x16xf32>,
    %swap3A_1022 = vector.shape_cast %swap3A_1021 : vector<1x16xf32> to vector<16xf32>
    %swap3A_1023 = vector.shape_cast %add3A_1017 : vector<16xf32> to vector<1x16xf32>
    tpu.vector_store %arg10[%swap3A_1019, %swap3A_1020], %swap3A_1023 {strides = array<i32>} : memref<8x128xf32, #tpu.memory_space<vmem>>, vector<1x16xf32>,
    %get3A_1024 = arith.constant 4 : i32
    %get3A_1025 = arith.index_cast %get3A_1024 : i32 to index
    %get3A_1026 = arith.constant 96 : index
    %get3A_1027 = tpu.vector_load %arg10[%get3A_1025, %get3A_1026] {strides = array<i32>} : memref<8x128xf32, #tpu.memory_space<vmem>>, vector<1x16xf32>,
    %get3A_1028 = vector.shape_cast %get3A_1027 : vector<1x16xf32> to vector<16xf32>
    %get3A_1029 = arith.constant 4 : i32
    %get3A_1030 = arith.index_cast %get3A_1029 : i32 to index
    %get3A_1031 = arith.constant 96 : index
    %get3A_1032 = tpu.vector_load %arg11[%get3A_1030, %get3A_1031] {strides = array<i32>} : memref<8x128xf32, #tpu.memory_space<vmem>>, vector<1x16xf32>,
    %get3A_1033 = vector.shape_cast %get3A_1032 : vector<1x16xf32> to vector<16xf32>
    %add3A_1034 = arith.addf %get3A_1028, %get3A_1033 : vector<16xf32>
    %add3A_1035 = arith.addf %add3A_1034, %get3A_192 : vector<16xf32>
    %swap3A_1036 = arith.constant 4 : i32
    %swap3A_1037 = arith.index_cast %swap3A_1036 : i32 to index
    %swap3A_1038 = arith.constant 96 : index
    %swap3A_1039 = tpu.vector_load %arg10[%swap3A_1037, %swap3A_1038] {strides = array<i32>} : memref<8x128xf32, #tpu.memory_space<vmem>>, vector<1x16xf32>,
    %swap3A_1040 = vector.shape_cast %swap3A_1039 : vector<1x16xf32> to vector<16xf32>
    %swap3A_1041 = vector.shape_cast %add3A_1035 : vector<16xf32> to vector<1x16xf32>
    tpu.vector_store %arg10[%swap3A_1037, %swap3A_1038], %swap3A_1041 {strides = array<i32>} : memref<8x128xf32, #tpu.memory_space<vmem>>, vector<1x16xf32>,
    %get3A_1042 = arith.constant 4 : i32
    %get3A_1043 = arith.index_cast %get3A_1042 : i32 to index
    %get3A_1044 = arith.constant 112 : index
    %get3A_1045 = tpu.vector_load %arg10[%get3A_1043, %get3A_1044] {strides = array<i32>} : memref<8x128xf32, #tpu.memory_space<vmem>>, vector<1x16xf32>,
    %get3A_1046 = vector.shape_cast %get3A_1045 : vector<1x16xf32> to vector<16xf32>
    %get3A_1047 = arith.constant 4 : i32
    %get3A_1048 = arith.index_cast %get3A_1047 : i32 to index
    %get3A_1049 = arith.constant 112 : index
    %get3A_1050 = tpu.vector_load %arg11[%get3A_1048, %get3A_1049] {strides = array<i32>} : memref<8x128xf32, #tpu.memory_space<vmem>>, vector<1x16xf32>,
    %get3A_1051 = vector.shape_cast %get3A_1050 : vector<1x16xf32> to vector<16xf32>
    %add3A_1052 = arith.addf %get3A_1046, %get3A_1051 : vector<16xf32>
    %add3A_1053 = arith.addf %add3A_1052, %get3A_192 : vector<16xf32>
    %swap3A_1054 = arith.constant 4 : i32
    %swap3A_1055 = arith.index_cast %swap3A_1054 : i32 to index
    %swap3A_1056 = arith.constant 112 : index
    %swap3A_1057 = tpu.vector_load %arg10[%swap3A_1055, %swap3A_1056] {strides = array<i32>} : memref<8x128xf32, #tpu.memory_space<vmem>>, vector<1x16xf32>,
    %swap3A_1058 = vector.shape_cast %swap3A_1057 : vector<1x16xf32> to vector<16xf32>
    %swap3A_1059 = vector.shape_cast %add3A_1053 : vector<16xf32> to vector<1x16xf32>
    tpu.vector_store %arg10[%swap3A_1055, %swap3A_1056], %swap3A_1059 {strides = array<i32>} : memref<8x128xf32, #tpu.memory_space<vmem>>, vector<1x16xf32>,
    %get3A_1060 = arith.constant 5 : i32
    %get3A_1061 = arith.index_cast %get3A_1060 : i32 to index
    %get3A_1062 = arith.constant 0 : index
    %get3A_1063 = tpu.vector_load %arg10[%get3A_1061, %get3A_1062] {strides = array<i32>} : memref<8x128xf32, #tpu.memory_space<vmem>>, vector<1x16xf32>,
    %get3A_1064 = vector.shape_cast %get3A_1063 : vector<1x16xf32> to vector<16xf32>
    %get3A_1065 = arith.constant 5 : i32
    %get3A_1066 = arith.index_cast %get3A_1065 : i32 to index
    %get3A_1067 = arith.constant 0 : index
    %get3A_1068 = tpu.vector_load %arg11[%get3A_1066, %get3A_1067] {strides = array<i32>} : memref<8x128xf32, #tpu.memory_space<vmem>>, vector<1x16xf32>,
    %get3A_1069 = vector.shape_cast %get3A_1068 : vector<1x16xf32> to vector<16xf32>
    %add3A_1070 = arith.addf %get3A_1064, %get3A_1069 : vector<16xf32>
    %add3A_1071 = arith.addf %add3A_1070, %get3A_192 : vector<16xf32>
    %swap3A_1072 = arith.constant 5 : i32
    %swap3A_1073 = arith.index_cast %swap3A_1072 : i32 to index
    %swap3A_1074 = arith.constant 0 : index
    %swap3A_1075 = tpu.vector_load %arg10[%swap3A_1073, %swap3A_1074] {strides = array<i32>} : memref<8x128xf32, #tpu.memory_space<vmem>>, vector<1x16xf32>,
    %swap3A_1076 = vector.shape_cast %swap3A_1075 : vector<1x16xf32> to vector<16xf32>
    %swap3A_1077 = vector.shape_cast %add3A_1071 : vector<16xf32> to vector<1x16xf32>
    tpu.vector_store %arg10[%swap3A_1073, %swap3A_1074], %swap3A_1077 {strides = array<i32>} : memref<8x128xf32, #tpu.memory_space<vmem>>, vector<1x16xf32>,
    %get3A_1078 = arith.constant 5 : i32
    %get3A_1079 = arith.index_cast %get3A_1078 : i32 to index
    %get3A_1080 = arith.constant 16 : index
    %get3A_1081 = tpu.vector_load %arg10[%get3A_1079, %get3A_1080] {strides = array<i32>} : memref<8x128xf32, #tpu.memory_space<vmem>>, vector<1x16xf32>,
    %get3A_1082 = vector.shape_cast %get3A_1081 : vector<1x16xf32> to vector<16xf32>
    %get3A_1083 = arith.constant 5 : i32
    %get3A_1084 = arith.index_cast %get3A_1083 : i32 to index
    %get3A_1085 = arith.constant 16 : index
    %get3A_1086 = tpu.vector_load %arg11[%get3A_1084, %get3A_1085] {strides = array<i32>} : memref<8x128xf32, #tpu.memory_space<vmem>>, vector<1x16xf32>,
    %get3A_1087 = vector.shape_cast %get3A_1086 : vector<1x16xf32> to vector<16xf32>
    %add3A_1088 = arith.addf %get3A_1082, %get3A_1087 : vector<16xf32>
    %add3A_1089 = arith.addf %add3A_1088, %get3A_192 : vector<16xf32>
    %swap3A_1090 = arith.constant 5 : i32
    %swap3A_1091 = arith.index_cast %swap3A_1090 : i32 to index
    %swap3A_1092 = arith.constant 16 : index
    %swap3A_1093 = tpu.vector_load %arg10[%swap3A_1091, %swap3A_1092] {strides = array<i32>} : memref<8x128xf32, #tpu.memory_space<vmem>>, vector<1x16xf32>,
    %swap3A_1094 = vector.shape_cast %swap3A_1093 : vector<1x16xf32> to vector<16xf32>
    %swap3A_1095 = vector.shape_cast %add3A_1089 : vector<16xf32> to vector<1x16xf32>
    tpu.vector_store %arg10[%swap3A_1091, %swap3A_1092], %swap3A_1095 {strides = array<i32>} : memref<8x128xf32, #tpu.memory_space<vmem>>, vector<1x16xf32>,
    %get3A_1096 = arith.constant 5 : i32
    %get3A_1097 = arith.index_cast %get3A_1096 : i32 to index
    %get3A_1098 = arith.constant 32 : index
    %get3A_1099 = tpu.vector_load %arg10[%get3A_1097, %get3A_1098] {strides = array<i32>} : memref<8x128xf32, #tpu.memory_space<vmem>>, vector<1x16xf32>,
    %get3A_1100 = vector.shape_cast %get3A_1099 : vector<1x16xf32> to vector<16xf32>
    %get3A_1101 = arith.constant 5 : i32
    %get3A_1102 = arith.index_cast %get3A_1101 : i32 to index
    %get3A_1103 = arith.constant 32 : index
    %get3A_1104 = tpu.vector_load %arg11[%get3A_1102, %get3A_1103] {strides = array<i32>} : memref<8x128xf32, #tpu.memory_space<vmem>>, vector<1x16xf32>,
    %get3A_1105 = vector.shape_cast %get3A_1104 : vector<1x16xf32> to vector<16xf32>
    %add3A_1106 = arith.addf %get3A_1100, %get3A_1105 : vector<16xf32>
    %add3A_1107 = arith.addf %add3A_1106, %get3A_192 : vector<16xf32>
    %swap3A_1108 = arith.constant 5 : i32
    %swap3A_1109 = arith.index_cast %swap3A_1108 : i32 to index
    %swap3A_1110 = arith.constant 32 : index
    %swap3A_1111 = tpu.vector_load %arg10[%swap3A_1109, %swap3A_1110] {strides = array<i32>} : memref<8x128xf32, #tpu.memory_space<vmem>>, vector<1x16xf32>,
    %swap3A_1112 = vector.shape_cast %swap3A_1111 : vector<1x16xf32> to vector<16xf32>
    %swap3A_1113 = vector.shape_cast %add3A_1107 : vector<16xf32> to vector<1x16xf32>
    tpu.vector_store %arg10[%swap3A_1109, %swap3A_1110], %swap3A_1113 {strides = array<i32>} : memref<8x128xf32, #tpu.memory_space<vmem>>, vector<1x16xf32>,
    %get3A_1114 = arith.constant 5 : i32
    %get3A_1115 = arith.index_cast %get3A_1114 : i32 to index
    %get3A_1116 = arith.constant 48 : index
    %get3A_1117 = tpu.vector_load %arg10[%get3A_1115, %get3A_1116] {strides = array<i32>} : memref<8x128xf32, #tpu.memory_space<vmem>>, vector<1x16xf32>,
    %get3A_1118 = vector.shape_cast %get3A_1117 : vector<1x16xf32> to vector<16xf32>
    %get3A_1119 = arith.constant 5 : i32
    %get3A_1120 = arith.index_cast %get3A_1119 : i32 to index
    %get3A_1121 = arith.constant 48 : index
    %get3A_1122 = tpu.vector_load %arg11[%get3A_1120, %get3A_1121] {strides = array<i32>} : memref<8x128xf32, #tpu.memory_space<vmem>>, vector<1x16xf32>,
    %get3A_1123 = vector.shape_cast %get3A_1122 : vector<1x16xf32> to vector<16xf32>
    %add3A_1124 = arith.addf %get3A_1118, %get3A_1123 : vector<16xf32>
    %add3A_1125 = arith.addf %add3A_1124, %get3A_192 : vector<16xf32>
    %swap3A_1126 = arith.constant 5 : i32
    %swap3A_1127 = arith.index_cast %swap3A_1126 : i32 to index
    %swap3A_1128 = arith.constant 48 : index
    %swap3A_1129 = tpu.vector_load %arg10[%swap3A_1127, %swap3A_1128] {strides = array<i32>} : memref<8x128xf32, #tpu.memory_space<vmem>>, vector<1x16xf32>,
    %swap3A_1130 = vector.shape_cast %swap3A_1129 : vector<1x16xf32> to vector<16xf32>
    %swap3A_1131 = vector.shape_cast %add3A_1125 : vector<16xf32> to vector<1x16xf32>
    tpu.vector_store %arg10[%swap3A_1127, %swap3A_1128], %swap3A_1131 {strides = array<i32>} : memref<8x128xf32, #tpu.memory_space<vmem>>, vector<1x16xf32>,
    %get3A_1132 = arith.constant 5 : i32
    %get3A_1133 = arith.index_cast %get3A_1132 : i32 to index
    %get3A_1134 = arith.constant 64 : index
    %get3A_1135 = tpu.vector_load %arg10[%get3A_1133, %get3A_1134] {strides = array<i32>} : memref<8x128xf32, #tpu.memory_space<vmem>>, vector<1x16xf32>,
    %get3A_1136 = vector.shape_cast %get3A_1135 : vector<1x16xf32> to vector<16xf32>
    %get3A_1137 = arith.constant 5 : i32
    %get3A_1138 = arith.index_cast %get3A_1137 : i32 to index
    %get3A_1139 = arith.constant 64 : index
    %get3A_1140 = tpu.vector_load %arg11[%get3A_1138, %get3A_1139] {strides = array<i32>} : memref<8x128xf32, #tpu.memory_space<vmem>>, vector<1x16xf32>,
    %get3A_1141 = vector.shape_cast %get3A_1140 : vector<1x16xf32> to vector<16xf32>
    %add3A_1142 = arith.addf %get3A_1136, %get3A_1141 : vector<16xf32>
    %add3A_1143 = arith.addf %add3A_1142, %get3A_192 : vector<16xf32>
    %swap3A_1144 = arith.constant 5 : i32
    %swap3A_1145 = arith.index_cast %swap3A_1144 : i32 to index
    %swap3A_1146 = arith.constant 64 : index
    %swap3A_1147 = tpu.vector_load %arg10[%swap3A_1145, %swap3A_1146] {strides = array<i32>} : memref<8x128xf32, #tpu.memory_space<vmem>>, vector<1x16xf32>,
    %swap3A_1148 = vector.shape_cast %swap3A_1147 : vector<1x16xf32> to vector<16xf32>
    %swap3A_1149 = vector.shape_cast %add3A_1143 : vector<16xf32> to vector<1x16xf32>
    tpu.vector_store %arg10[%swap3A_1145, %swap3A_1146], %swap3A_1149 {strides = array<i32>} : memref<8x128xf32, #tpu.memory_space<vmem>>, vector<1x16xf32>,
    %get3A_1150 = arith.constant 5 : i32
    %get3A_1151 = arith.index_cast %get3A_1150 : i32 to index
    %get3A_1152 = arith.constant 80 : index
    %get3A_1153 = tpu.vector_load %arg10[%get3A_1151, %get3A_1152] {strides = array<i32>} : memref<8x128xf32, #tpu.memory_space<vmem>>, vector<1x16xf32>,
    %get3A_1154 = vector.shape_cast %get3A_1153 : vector<1x16xf32> to vector<16xf32>
    %get3A_1155 = arith.constant 5 : i32
    %get3A_1156 = arith.index_cast %get3A_1155 : i32 to index
    %get3A_1157 = arith.constant 80 : index
    %get3A_1158 = tpu.vector_load %arg11[%get3A_1156, %get3A_1157] {strides = array<i32>} : memref<8x128xf32, #tpu.memory_space<vmem>>, vector<1x16xf32>,
    %get3A_1159 = vector.shape_cast %get3A_1158 : vector<1x16xf32> to vector<16xf32>
    %add3A_1160 = arith.addf %get3A_1154, %get3A_1159 : vector<16xf32>
    %add3A_1161 = arith.addf %add3A_1160, %get3A_192 : vector<16xf32>
    %swap3A_1162 = arith.constant 5 : i32
    %swap3A_1163 = arith.index_cast %swap3A_1162 : i32 to index
    %swap3A_1164 = arith.constant 80 : index
    %swap3A_1165 = tpu.vector_load %arg10[%swap3A_1163, %swap3A_1164] {strides = array<i32>} : memref<8x128xf32, #tpu.memory_space<vmem>>, vector<1x16xf32>,
    %swap3A_1166 = vector.shape_cast %swap3A_1165 : vector<1x16xf32> to vector<16xf32>
    %swap3A_1167 = vector.shape_cast %add3A_1161 : vector<16xf32> to vector<1x16xf32>
    tpu.vector_store %arg10[%swap3A_1163, %swap3A_1164], %swap3A_1167 {strides = array<i32>} : memref<8x128xf32, #tpu.memory_space<vmem>>, vector<1x16xf32>,
    %get3A_1168 = arith.constant 5 : i32
    %get3A_1169 = arith.index_cast %get3A_1168 : i32 to index
    %get3A_1170 = arith.constant 96 : index
    %get3A_1171 = tpu.vector_load %arg10[%get3A_1169, %get3A_1170] {strides = array<i32>} : memref<8x128xf32, #tpu.memory_space<vmem>>, vector<1x16xf32>,
    %get3A_1172 = vector.shape_cast %get3A_1171 : vector<1x16xf32> to vector<16xf32>
    %get3A_1173 = arith.constant 5 : i32
    %get3A_1174 = arith.index_cast %get3A_1173 : i32 to index
    %get3A_1175 = arith.constant 96 : index
    %get3A_1176 = tpu.vector_load %arg11[%get3A_1174, %get3A_1175] {strides = array<i32>} : memref<8x128xf32, #tpu.memory_space<vmem>>, vector<1x16xf32>,
    %get3A_1177 = vector.shape_cast %get3A_1176 : vector<1x16xf32> to vector<16xf32>
    %add3A_1178 = arith.addf %get3A_1172, %get3A_1177 : vector<16xf32>
    %add3A_1179 = arith.addf %add3A_1178, %get3A_192 : vector<16xf32>
    %swap3A_1180 = arith.constant 5 : i32
    %swap3A_1181 = arith.index_cast %swap3A_1180 : i32 to index
    %swap3A_1182 = arith.constant 96 : index
    %swap3A_1183 = tpu.vector_load %arg10[%swap3A_1181, %swap3A_1182] {strides = array<i32>} : memref<8x128xf32, #tpu.memory_space<vmem>>, vector<1x16xf32>,
    %swap3A_1184 = vector.shape_cast %swap3A_1183 : vector<1x16xf32> to vector<16xf32>
    %swap3A_1185 = vector.shape_cast %add3A_1179 : vector<16xf32> to vector<1x16xf32>
    tpu.vector_store %arg10[%swap3A_1181, %swap3A_1182], %swap3A_1185 {strides = array<i32>} : memref<8x128xf32, #tpu.memory_space<vmem>>, vector<1x16xf32>,
    %get3A_1186 = arith.constant 5 : i32
    %get3A_1187 = arith.index_cast %get3A_1186 : i32 to index
    %get3A_1188 = arith.constant 112 : index
    %get3A_1189 = tpu.vector_load %arg10[%get3A_1187, %get3A_1188] {strides = array<i32>} : memref<8x128xf32, #tpu.memory_space<vmem>>, vector<1x16xf32>,
    %get3A_1190 = vector.shape_cast %get3A_1189 : vector<1x16xf32> to vector<16xf32>
    %get3A_1191 = arith.constant 5 : i32
    %get3A_1192 = arith.index_cast %get3A_1191 : i32 to index
    %get3A_1193 = arith.constant 112 : index
    %get3A_1194 = tpu.vector_load %arg11[%get3A_1192, %get3A_1193] {strides = array<i32>} : memref<8x128xf32, #tpu.memory_space<vmem>>, vector<1x16xf32>,
    %get3A_1195 = vector.shape_cast %get3A_1194 : vector<1x16xf32> to vector<16xf32>
    %add3A_1196 = arith.addf %get3A_1190, %get3A_1195 : vector<16xf32>
    %add3A_1197 = arith.addf %add3A_1196, %get3A_192 : vector<16xf32>
    %swap3A_1198 = arith.constant 5 : i32
    %swap3A_1199 = arith.index_cast %swap3A_1198 : i32 to index
    %swap3A_1200 = arith.constant 112 : index
    %swap3A_1201 = tpu.vector_load %arg10[%swap3A_1199, %swap3A_1200] {strides = array<i32>} : memref<8x128xf32, #tpu.memory_space<vmem>>, vector<1x16xf32>,
    %swap3A_1202 = vector.shape_cast %swap3A_1201 : vector<1x16xf32> to vector<16xf32>
    %swap3A_1203 = vector.shape_cast %add3A_1197 : vector<16xf32> to vector<1x16xf32>
    tpu.vector_store %arg10[%swap3A_1199, %swap3A_1200], %swap3A_1203 {strides = array<i32>} : memref<8x128xf32, #tpu.memory_space<vmem>>, vector<1x16xf32>,
    %dma_start3A_1204 = arith.constant 4 : i32
    %dma_start3A_1205 = arith.constant 0 : i32
    %dma_start3A_1206 = tpu.memref_slice %arg10[%dma_start3A_1204, %dma_start3A_1205] : memref<8x128xf32, #tpu.memory_space<vmem>> -> memref<2x128xf32, #tpu.memory_space<vmem>>
    %dma_start3A_1207 = arith.constant 4 : i32
    %dma_start3A_1208 = arith.constant 0 : i32
    %dma_start3A_1209 = tpu.memref_slice %arg7[%add3A, %dma_start3A_1207, %dma_start3A_1208] : memref<16x8x128xf32, #tpu.memory_space<hbm>> -> memref<1x2x128xf32, #tpu.memory_space<hbm>>
    %dma_start3A_1210 = tpu.memref_squeeze %dma_start3A_1209 : memref<1x2x128xf32, #tpu.memory_space<hbm>> -> memref<2x128xf32, #tpu.memory_space<hbm>>
    %dma_start3A_1211 = arith.constant 4 : i32
    %dma_start3A_1212 = arith.constant 0 : i32
    %dma_start3A_1213 = tpu.memref_slice %arg7[%add3A, %dma_start3A_1211, %dma_start3A_1212] : memref<16x8x128xf32, #tpu.memory_space<hbm>> -> memref<1x2x128xf32, #tpu.memory_space<hbm>>
    %dma_start3A_1214 = tpu.memref_squeeze %dma_start3A_1213 : memref<1x2x128xf32, #tpu.memory_space<hbm>> -> memref<2x128xf32, #tpu.memory_space<hbm>>
    %dma_start3A_1215 = arith.constant 4 : i32
    %dma_start3A_1216 = arith.constant 0 : i32
    %dma_start3A_1217 = tpu.memref_slice %arg10[%dma_start3A_1215, %dma_start3A_1216] : memref<8x128xf32, #tpu.memory_space<vmem>> -> memref<2x128xf32, #tpu.memory_space<vmem>>
    tpu.enqueue_dma source(%dma_start3A_1217 : memref<2x128xf32, #tpu.memory_space<vmem>>) target(%dma_start3A_1214 : memref<2x128xf32, #tpu.memory_space<hbm>>) target_semaphore(%arg18 : memref<!tpu.dma_semaphore, #tpu.memory_space<semaphore_mem>>)
    %dma_wait3A_1218 = arith.constant 6 : i32
    %dma_wait3A_1219 = arith.constant 6 : i32
    %dma_wait3A_1220 = arith.constant 0 : i32
    %dma_wait3A_1221 = tpu.memref_slice %arg10[%dma_wait3A_1219, %dma_wait3A_1220] : memref<8x128xf32, #tpu.memory_space<vmem>> -> memref<1x128xf32, #tpu.memory_space<vmem>>
    %dma_wait3A_1222 = tpu.memref_squeeze %dma_wait3A_1221 : memref<1x128xf32, #tpu.memory_space<vmem>> -> memref<128xf32, #tpu.memory_space<vmem>>
    %dma_wait3A_1223 = arith.constant 0 : i32
    %dma_wait3A_1224 = tpu.memref_slice %arg8[%dma_wait3A_1218, %dma_wait3A_1223] : memref<8x128xi32, #tpu.memory_space<vmem>> -> memref<1x128xi32, #tpu.memory_space<vmem>>
    %dma_wait3A_1225 = tpu.memref_squeeze %dma_wait3A_1224 : memref<1x128xi32, #tpu.memory_space<vmem>> -> memref<128xi32, #tpu.memory_space<vmem>>
    %dma_wait3A_1226 = arith.constant 0 : i32
    %dma_wait3A_1227 = tpu.memref_slice %arg4[%dma_wait3A_1226] : memref<1000000xf32, #tpu.memory_space<hbm>> -> memref<1000000xf32, #tpu.memory_space<hbm>>
    tpu.wait_indirect_dma semaphore(%arg17 : memref<!tpu.dma_semaphore, #tpu.memory_space<semaphore_mem>>) src(%dma_wait3A_1227 : memref<1000000xf32, #tpu.memory_space<hbm>>) dst(%dma_wait3A_1222 : memref<128xf32, #tpu.memory_space<vmem>>)
    %dma_wait3A_1228 = arith.constant 6 : i32
    %dma_wait3A_1229 = arith.constant 6 : i32
    %dma_wait3A_1230 = arith.constant 0 : i32
    %dma_wait3A_1231 = tpu.memref_slice %arg11[%dma_wait3A_1229, %dma_wait3A_1230] : memref<8x128xf32, #tpu.memory_space<vmem>> -> memref<1x128xf32, #tpu.memory_space<vmem>>
    %dma_wait3A_1232 = tpu.memref_squeeze %dma_wait3A_1231 : memref<1x128xf32, #tpu.memory_space<vmem>> -> memref<128xf32, #tpu.memory_space<vmem>>
    %dma_wait3A_1233 = arith.constant 0 : i32
    %dma_wait3A_1234 = tpu.memref_slice %arg9[%dma_wait3A_1228, %dma_wait3A_1233] : memref<8x128xi32, #tpu.memory_space<vmem>> -> memref<1x128xi32, #tpu.memory_space<vmem>>
    %dma_wait3A_1235 = tpu.memref_squeeze %dma_wait3A_1234 : memref<1x128xi32, #tpu.memory_space<vmem>> -> memref<128xi32, #tpu.memory_space<vmem>>
    %dma_wait3A_1236 = arith.constant 0 : i32
    %dma_wait3A_1237 = tpu.memref_slice %arg5[%dma_wait3A_1236] : memref<100000xf32, #tpu.memory_space<hbm>> -> memref<100000xf32, #tpu.memory_space<hbm>>
    tpu.wait_indirect_dma semaphore(%arg17 : memref<!tpu.dma_semaphore, #tpu.memory_space<semaphore_mem>>) src(%dma_wait3A_1237 : memref<100000xf32, #tpu.memory_space<hbm>>) dst(%dma_wait3A_1232 : memref<128xf32, #tpu.memory_space<vmem>>)
    %dma_wait3A_1238 = arith.constant 7 : i32
    %dma_wait3A_1239 = arith.constant 7 : i32
    %dma_wait3A_1240 = arith.constant 0 : i32
    %dma_wait3A_1241 = tpu.memref_slice %arg10[%dma_wait3A_1239, %dma_wait3A_1240] : memref<8x128xf32, #tpu.memory_space<vmem>> -> memref<1x128xf32, #tpu.memory_space<vmem>>
    %dma_wait3A_1242 = tpu.memref_squeeze %dma_wait3A_1241 : memref<1x128xf32, #tpu.memory_space<vmem>> -> memref<128xf32, #tpu.memory_space<vmem>>
    %dma_wait3A_1243 = arith.constant 0 : i32
    %dma_wait3A_1244 = tpu.memref_slice %arg8[%dma_wait3A_1238, %dma_wait3A_1243] : memref<8x128xi32, #tpu.memory_space<vmem>> -> memref<1x128xi32, #tpu.memory_space<vmem>>
    %dma_wait3A_1245 = tpu.memref_squeeze %dma_wait3A_1244 : memref<1x128xi32, #tpu.memory_space<vmem>> -> memref<128xi32, #tpu.memory_space<vmem>>
    %dma_wait3A_1246 = arith.constant 0 : i32
    %dma_wait3A_1247 = tpu.memref_slice %arg4[%dma_wait3A_1246] : memref<1000000xf32, #tpu.memory_space<hbm>> -> memref<1000000xf32, #tpu.memory_space<hbm>>
    tpu.wait_indirect_dma semaphore(%arg17 : memref<!tpu.dma_semaphore, #tpu.memory_space<semaphore_mem>>) src(%dma_wait3A_1247 : memref<1000000xf32, #tpu.memory_space<hbm>>) dst(%dma_wait3A_1242 : memref<128xf32, #tpu.memory_space<vmem>>)
    %dma_wait3A_1248 = arith.constant 7 : i32
    %dma_wait3A_1249 = arith.constant 7 : i32
    %dma_wait3A_1250 = arith.constant 0 : i32
    %dma_wait3A_1251 = tpu.memref_slice %arg11[%dma_wait3A_1249, %dma_wait3A_1250] : memref<8x128xf32, #tpu.memory_space<vmem>> -> memref<1x128xf32, #tpu.memory_space<vmem>>
    %dma_wait3A_1252 = tpu.memref_squeeze %dma_wait3A_1251 : memref<1x128xf32, #tpu.memory_space<vmem>> -> memref<128xf32, #tpu.memory_space<vmem>>
    %dma_wait3A_1253 = arith.constant 0 : i32
    %dma_wait3A_1254 = tpu.memref_slice %arg9[%dma_wait3A_1248, %dma_wait3A_1253] : memref<8x128xi32, #tpu.memory_space<vmem>> -> memref<1x128xi32, #tpu.memory_space<vmem>>
    %dma_wait3A_1255 = tpu.memref_squeeze %dma_wait3A_1254 : memref<1x128xi32, #tpu.memory_space<vmem>> -> memref<128xi32, #tpu.memory_space<vmem>>
    %dma_wait3A_1256 = arith.constant 0 : i32
    %dma_wait3A_1257 = tpu.memref_slice %arg5[%dma_wait3A_1256] : memref<100000xf32, #tpu.memory_space<hbm>> -> memref<100000xf32, #tpu.memory_space<hbm>>
    tpu.wait_indirect_dma semaphore(%arg17 : memref<!tpu.dma_semaphore, #tpu.memory_space<semaphore_mem>>) src(%dma_wait3A_1257 : memref<100000xf32, #tpu.memory_space<hbm>>) dst(%dma_wait3A_1252 : memref<128xf32, #tpu.memory_space<vmem>>)
    %get3A_1258 = arith.constant 6 : i32
    %get3A_1259 = arith.index_cast %get3A_1258 : i32 to index
    %get3A_1260 = arith.constant 0 : index
    %get3A_1261 = tpu.vector_load %arg10[%get3A_1259, %get3A_1260] {strides = array<i32>} : memref<8x128xf32, #tpu.memory_space<vmem>>, vector<1x16xf32>,
    %get3A_1262 = vector.shape_cast %get3A_1261 : vector<1x16xf32> to vector<16xf32>
    %get3A_1263 = arith.constant 6 : i32
    %get3A_1264 = arith.index_cast %get3A_1263 : i32 to index
    %get3A_1265 = arith.constant 0 : index
    %get3A_1266 = tpu.vector_load %arg11[%get3A_1264, %get3A_1265] {strides = array<i32>} : memref<8x128xf32, #tpu.memory_space<vmem>>, vector<1x16xf32>,
    %get3A_1267 = vector.shape_cast %get3A_1266 : vector<1x16xf32> to vector<16xf32>
    %add3A_1268 = arith.addf %get3A_1262, %get3A_1267 : vector<16xf32>
    %add3A_1269 = arith.addf %add3A_1268, %get3A_192 : vector<16xf32>
    %swap3A_1270 = arith.constant 6 : i32
    %swap3A_1271 = arith.index_cast %swap3A_1270 : i32 to index
    %swap3A_1272 = arith.constant 0 : index
    %swap3A_1273 = tpu.vector_load %arg10[%swap3A_1271, %swap3A_1272] {strides = array<i32>} : memref<8x128xf32, #tpu.memory_space<vmem>>, vector<1x16xf32>,
    %swap3A_1274 = vector.shape_cast %swap3A_1273 : vector<1x16xf32> to vector<16xf32>
    %swap3A_1275 = vector.shape_cast %add3A_1269 : vector<16xf32> to vector<1x16xf32>
    tpu.vector_store %arg10[%swap3A_1271, %swap3A_1272], %swap3A_1275 {strides = array<i32>} : memref<8x128xf32, #tpu.memory_space<vmem>>, vector<1x16xf32>,
    %get3A_1276 = arith.constant 6 : i32
    %get3A_1277 = arith.index_cast %get3A_1276 : i32 to index
    %get3A_1278 = arith.constant 16 : index
    %get3A_1279 = tpu.vector_load %arg10[%get3A_1277, %get3A_1278] {strides = array<i32>} : memref<8x128xf32, #tpu.memory_space<vmem>>, vector<1x16xf32>,
    %get3A_1280 = vector.shape_cast %get3A_1279 : vector<1x16xf32> to vector<16xf32>
    %get3A_1281 = arith.constant 6 : i32
    %get3A_1282 = arith.index_cast %get3A_1281 : i32 to index
    %get3A_1283 = arith.constant 16 : index
    %get3A_1284 = tpu.vector_load %arg11[%get3A_1282, %get3A_1283] {strides = array<i32>} : memref<8x128xf32, #tpu.memory_space<vmem>>, vector<1x16xf32>,
    %get3A_1285 = vector.shape_cast %get3A_1284 : vector<1x16xf32> to vector<16xf32>
    %add3A_1286 = arith.addf %get3A_1280, %get3A_1285 : vector<16xf32>
    %add3A_1287 = arith.addf %add3A_1286, %get3A_192 : vector<16xf32>
    %swap3A_1288 = arith.constant 6 : i32
    %swap3A_1289 = arith.index_cast %swap3A_1288 : i32 to index
    %swap3A_1290 = arith.constant 16 : index
    %swap3A_1291 = tpu.vector_load %arg10[%swap3A_1289, %swap3A_1290] {strides = array<i32>} : memref<8x128xf32, #tpu.memory_space<vmem>>, vector<1x16xf32>,
    %swap3A_1292 = vector.shape_cast %swap3A_1291 : vector<1x16xf32> to vector<16xf32>
    %swap3A_1293 = vector.shape_cast %add3A_1287 : vector<16xf32> to vector<1x16xf32>
    tpu.vector_store %arg10[%swap3A_1289, %swap3A_1290], %swap3A_1293 {strides = array<i32>} : memref<8x128xf32, #tpu.memory_space<vmem>>, vector<1x16xf32>,
    %get3A_1294 = arith.constant 6 : i32
    %get3A_1295 = arith.index_cast %get3A_1294 : i32 to index
    %get3A_1296 = arith.constant 32 : index
    %get3A_1297 = tpu.vector_load %arg10[%get3A_1295, %get3A_1296] {strides = array<i32>} : memref<8x128xf32, #tpu.memory_space<vmem>>, vector<1x16xf32>,
    %get3A_1298 = vector.shape_cast %get3A_1297 : vector<1x16xf32> to vector<16xf32>
    %get3A_1299 = arith.constant 6 : i32
    %get3A_1300 = arith.index_cast %get3A_1299 : i32 to index
    %get3A_1301 = arith.constant 32 : index
    %get3A_1302 = tpu.vector_load %arg11[%get3A_1300, %get3A_1301] {strides = array<i32>} : memref<8x128xf32, #tpu.memory_space<vmem>>, vector<1x16xf32>,
    %get3A_1303 = vector.shape_cast %get3A_1302 : vector<1x16xf32> to vector<16xf32>
    %add3A_1304 = arith.addf %get3A_1298, %get3A_1303 : vector<16xf32>
    %add3A_1305 = arith.addf %add3A_1304, %get3A_192 : vector<16xf32>
    %swap3A_1306 = arith.constant 6 : i32
    %swap3A_1307 = arith.index_cast %swap3A_1306 : i32 to index
    %swap3A_1308 = arith.constant 32 : index
    %swap3A_1309 = tpu.vector_load %arg10[%swap3A_1307, %swap3A_1308] {strides = array<i32>} : memref<8x128xf32, #tpu.memory_space<vmem>>, vector<1x16xf32>,
    %swap3A_1310 = vector.shape_cast %swap3A_1309 : vector<1x16xf32> to vector<16xf32>
    %swap3A_1311 = vector.shape_cast %add3A_1305 : vector<16xf32> to vector<1x16xf32>
    tpu.vector_store %arg10[%swap3A_1307, %swap3A_1308], %swap3A_1311 {strides = array<i32>} : memref<8x128xf32, #tpu.memory_space<vmem>>, vector<1x16xf32>,
    %get3A_1312 = arith.constant 6 : i32
    %get3A_1313 = arith.index_cast %get3A_1312 : i32 to index
    %get3A_1314 = arith.constant 48 : index
    %get3A_1315 = tpu.vector_load %arg10[%get3A_1313, %get3A_1314] {strides = array<i32>} : memref<8x128xf32, #tpu.memory_space<vmem>>, vector<1x16xf32>,
    %get3A_1316 = vector.shape_cast %get3A_1315 : vector<1x16xf32> to vector<16xf32>
    %get3A_1317 = arith.constant 6 : i32
    %get3A_1318 = arith.index_cast %get3A_1317 : i32 to index
    %get3A_1319 = arith.constant 48 : index
    %get3A_1320 = tpu.vector_load %arg11[%get3A_1318, %get3A_1319] {strides = array<i32>} : memref<8x128xf32, #tpu.memory_space<vmem>>, vector<1x16xf32>,
    %get3A_1321 = vector.shape_cast %get3A_1320 : vector<1x16xf32> to vector<16xf32>
    %add3A_1322 = arith.addf %get3A_1316, %get3A_1321 : vector<16xf32>
    %add3A_1323 = arith.addf %add3A_1322, %get3A_192 : vector<16xf32>
    %swap3A_1324 = arith.constant 6 : i32
    %swap3A_1325 = arith.index_cast %swap3A_1324 : i32 to index
    %swap3A_1326 = arith.constant 48 : index
    %swap3A_1327 = tpu.vector_load %arg10[%swap3A_1325, %swap3A_1326] {strides = array<i32>} : memref<8x128xf32, #tpu.memory_space<vmem>>, vector<1x16xf32>,
    %swap3A_1328 = vector.shape_cast %swap3A_1327 : vector<1x16xf32> to vector<16xf32>
    %swap3A_1329 = vector.shape_cast %add3A_1323 : vector<16xf32> to vector<1x16xf32>
    tpu.vector_store %arg10[%swap3A_1325, %swap3A_1326], %swap3A_1329 {strides = array<i32>} : memref<8x128xf32, #tpu.memory_space<vmem>>, vector<1x16xf32>,
    %get3A_1330 = arith.constant 6 : i32
    %get3A_1331 = arith.index_cast %get3A_1330 : i32 to index
    %get3A_1332 = arith.constant 64 : index
    %get3A_1333 = tpu.vector_load %arg10[%get3A_1331, %get3A_1332] {strides = array<i32>} : memref<8x128xf32, #tpu.memory_space<vmem>>, vector<1x16xf32>,
    %get3A_1334 = vector.shape_cast %get3A_1333 : vector<1x16xf32> to vector<16xf32>
    %get3A_1335 = arith.constant 6 : i32
    %get3A_1336 = arith.index_cast %get3A_1335 : i32 to index
    %get3A_1337 = arith.constant 64 : index
    %get3A_1338 = tpu.vector_load %arg11[%get3A_1336, %get3A_1337] {strides = array<i32>} : memref<8x128xf32, #tpu.memory_space<vmem>>, vector<1x16xf32>,
    %get3A_1339 = vector.shape_cast %get3A_1338 : vector<1x16xf32> to vector<16xf32>
    %add3A_1340 = arith.addf %get3A_1334, %get3A_1339 : vector<16xf32>
    %add3A_1341 = arith.addf %add3A_1340, %get3A_192 : vector<16xf32>
    %swap3A_1342 = arith.constant 6 : i32
    %swap3A_1343 = arith.index_cast %swap3A_1342 : i32 to index
    %swap3A_1344 = arith.constant 64 : index
    %swap3A_1345 = tpu.vector_load %arg10[%swap3A_1343, %swap3A_1344] {strides = array<i32>} : memref<8x128xf32, #tpu.memory_space<vmem>>, vector<1x16xf32>,
    %swap3A_1346 = vector.shape_cast %swap3A_1345 : vector<1x16xf32> to vector<16xf32>
    %swap3A_1347 = vector.shape_cast %add3A_1341 : vector<16xf32> to vector<1x16xf32>
    tpu.vector_store %arg10[%swap3A_1343, %swap3A_1344], %swap3A_1347 {strides = array<i32>} : memref<8x128xf32, #tpu.memory_space<vmem>>, vector<1x16xf32>,
    %get3A_1348 = arith.constant 6 : i32
    %get3A_1349 = arith.index_cast %get3A_1348 : i32 to index
    %get3A_1350 = arith.constant 80 : index
    %get3A_1351 = tpu.vector_load %arg10[%get3A_1349, %get3A_1350] {strides = array<i32>} : memref<8x128xf32, #tpu.memory_space<vmem>>, vector<1x16xf32>,
    %get3A_1352 = vector.shape_cast %get3A_1351 : vector<1x16xf32> to vector<16xf32>
    %get3A_1353 = arith.constant 6 : i32
    %get3A_1354 = arith.index_cast %get3A_1353 : i32 to index
    %get3A_1355 = arith.constant 80 : index
    %get3A_1356 = tpu.vector_load %arg11[%get3A_1354, %get3A_1355] {strides = array<i32>} : memref<8x128xf32, #tpu.memory_space<vmem>>, vector<1x16xf32>,
    %get3A_1357 = vector.shape_cast %get3A_1356 : vector<1x16xf32> to vector<16xf32>
    %add3A_1358 = arith.addf %get3A_1352, %get3A_1357 : vector<16xf32>
    %add3A_1359 = arith.addf %add3A_1358, %get3A_192 : vector<16xf32>
    %swap3A_1360 = arith.constant 6 : i32
    %swap3A_1361 = arith.index_cast %swap3A_1360 : i32 to index
    %swap3A_1362 = arith.constant 80 : index
    %swap3A_1363 = tpu.vector_load %arg10[%swap3A_1361, %swap3A_1362] {strides = array<i32>} : memref<8x128xf32, #tpu.memory_space<vmem>>, vector<1x16xf32>,
    %swap3A_1364 = vector.shape_cast %swap3A_1363 : vector<1x16xf32> to vector<16xf32>
    %swap3A_1365 = vector.shape_cast %add3A_1359 : vector<16xf32> to vector<1x16xf32>
    tpu.vector_store %arg10[%swap3A_1361, %swap3A_1362], %swap3A_1365 {strides = array<i32>} : memref<8x128xf32, #tpu.memory_space<vmem>>, vector<1x16xf32>,
    %get3A_1366 = arith.constant 6 : i32
    %get3A_1367 = arith.index_cast %get3A_1366 : i32 to index
    %get3A_1368 = arith.constant 96 : index
    %get3A_1369 = tpu.vector_load %arg10[%get3A_1367, %get3A_1368] {strides = array<i32>} : memref<8x128xf32, #tpu.memory_space<vmem>>, vector<1x16xf32>,
    %get3A_1370 = vector.shape_cast %get3A_1369 : vector<1x16xf32> to vector<16xf32>
    %get3A_1371 = arith.constant 6 : i32
    %get3A_1372 = arith.index_cast %get3A_1371 : i32 to index
    %get3A_1373 = arith.constant 96 : index
    %get3A_1374 = tpu.vector_load %arg11[%get3A_1372, %get3A_1373] {strides = array<i32>} : memref<8x128xf32, #tpu.memory_space<vmem>>, vector<1x16xf32>,
    %get3A_1375 = vector.shape_cast %get3A_1374 : vector<1x16xf32> to vector<16xf32>
    %add3A_1376 = arith.addf %get3A_1370, %get3A_1375 : vector<16xf32>
    %add3A_1377 = arith.addf %add3A_1376, %get3A_192 : vector<16xf32>
    %swap3A_1378 = arith.constant 6 : i32
    %swap3A_1379 = arith.index_cast %swap3A_1378 : i32 to index
    %swap3A_1380 = arith.constant 96 : index
    %swap3A_1381 = tpu.vector_load %arg10[%swap3A_1379, %swap3A_1380] {strides = array<i32>} : memref<8x128xf32, #tpu.memory_space<vmem>>, vector<1x16xf32>,
    %swap3A_1382 = vector.shape_cast %swap3A_1381 : vector<1x16xf32> to vector<16xf32>
    %swap3A_1383 = vector.shape_cast %add3A_1377 : vector<16xf32> to vector<1x16xf32>
    tpu.vector_store %arg10[%swap3A_1379, %swap3A_1380], %swap3A_1383 {strides = array<i32>} : memref<8x128xf32, #tpu.memory_space<vmem>>, vector<1x16xf32>,
    %get3A_1384 = arith.constant 6 : i32
    %get3A_1385 = arith.index_cast %get3A_1384 : i32 to index
    %get3A_1386 = arith.constant 112 : index
    %get3A_1387 = tpu.vector_load %arg10[%get3A_1385, %get3A_1386] {strides = array<i32>} : memref<8x128xf32, #tpu.memory_space<vmem>>, vector<1x16xf32>,
    %get3A_1388 = vector.shape_cast %get3A_1387 : vector<1x16xf32> to vector<16xf32>
    %get3A_1389 = arith.constant 6 : i32
    %get3A_1390 = arith.index_cast %get3A_1389 : i32 to index
    %get3A_1391 = arith.constant 112 : index
    %get3A_1392 = tpu.vector_load %arg11[%get3A_1390, %get3A_1391] {strides = array<i32>} : memref<8x128xf32, #tpu.memory_space<vmem>>, vector<1x16xf32>,
    %get3A_1393 = vector.shape_cast %get3A_1392 : vector<1x16xf32> to vector<16xf32>
    %add3A_1394 = arith.addf %get3A_1388, %get3A_1393 : vector<16xf32>
    %add3A_1395 = arith.addf %add3A_1394, %get3A_192 : vector<16xf32>
    %swap3A_1396 = arith.constant 6 : i32
    %swap3A_1397 = arith.index_cast %swap3A_1396 : i32 to index
    %swap3A_1398 = arith.constant 112 : index
    %swap3A_1399 = tpu.vector_load %arg10[%swap3A_1397, %swap3A_1398] {strides = array<i32>} : memref<8x128xf32, #tpu.memory_space<vmem>>, vector<1x16xf32>,
    %swap3A_1400 = vector.shape_cast %swap3A_1399 : vector<1x16xf32> to vector<16xf32>
    %swap3A_1401 = vector.shape_cast %add3A_1395 : vector<16xf32> to vector<1x16xf32>
    tpu.vector_store %arg10[%swap3A_1397, %swap3A_1398], %swap3A_1401 {strides = array<i32>} : memref<8x128xf32, #tpu.memory_space<vmem>>, vector<1x16xf32>,
    %get3A_1402 = arith.constant 7 : i32
    %get3A_1403 = arith.index_cast %get3A_1402 : i32 to index
    %get3A_1404 = arith.constant 0 : index
    %get3A_1405 = tpu.vector_load %arg10[%get3A_1403, %get3A_1404] {strides = array<i32>} : memref<8x128xf32, #tpu.memory_space<vmem>>, vector<1x16xf32>,
    %get3A_1406 = vector.shape_cast %get3A_1405 : vector<1x16xf32> to vector<16xf32>
    %get3A_1407 = arith.constant 7 : i32
    %get3A_1408 = arith.index_cast %get3A_1407 : i32 to index
    %get3A_1409 = arith.constant 0 : index
    %get3A_1410 = tpu.vector_load %arg11[%get3A_1408, %get3A_1409] {strides = array<i32>} : memref<8x128xf32, #tpu.memory_space<vmem>>, vector<1x16xf32>,
    %get3A_1411 = vector.shape_cast %get3A_1410 : vector<1x16xf32> to vector<16xf32>
    %add3A_1412 = arith.addf %get3A_1406, %get3A_1411 : vector<16xf32>
    %add3A_1413 = arith.addf %add3A_1412, %get3A_192 : vector<16xf32>
    %swap3A_1414 = arith.constant 7 : i32
    %swap3A_1415 = arith.index_cast %swap3A_1414 : i32 to index
    %swap3A_1416 = arith.constant 0 : index
    %swap3A_1417 = tpu.vector_load %arg10[%swap3A_1415, %swap3A_1416] {strides = array<i32>} : memref<8x128xf32, #tpu.memory_space<vmem>>, vector<1x16xf32>,
    %swap3A_1418 = vector.shape_cast %swap3A_1417 : vector<1x16xf32> to vector<16xf32>
    %swap3A_1419 = vector.shape_cast %add3A_1413 : vector<16xf32> to vector<1x16xf32>
    tpu.vector_store %arg10[%swap3A_1415, %swap3A_1416], %swap3A_1419 {strides = array<i32>} : memref<8x128xf32, #tpu.memory_space<vmem>>, vector<1x16xf32>,
    %get3A_1420 = arith.constant 7 : i32
    %get3A_1421 = arith.index_cast %get3A_1420 : i32 to index
    %get3A_1422 = arith.constant 16 : index
    %get3A_1423 = tpu.vector_load %arg10[%get3A_1421, %get3A_1422] {strides = array<i32>} : memref<8x128xf32, #tpu.memory_space<vmem>>, vector<1x16xf32>,
    %get3A_1424 = vector.shape_cast %get3A_1423 : vector<1x16xf32> to vector<16xf32>
    %get3A_1425 = arith.constant 7 : i32
    %get3A_1426 = arith.index_cast %get3A_1425 : i32 to index
    %get3A_1427 = arith.constant 16 : index
    %get3A_1428 = tpu.vector_load %arg11[%get3A_1426, %get3A_1427] {strides = array<i32>} : memref<8x128xf32, #tpu.memory_space<vmem>>, vector<1x16xf32>,
    %get3A_1429 = vector.shape_cast %get3A_1428 : vector<1x16xf32> to vector<16xf32>
    %add3A_1430 = arith.addf %get3A_1424, %get3A_1429 : vector<16xf32>
    %add3A_1431 = arith.addf %add3A_1430, %get3A_192 : vector<16xf32>
    %swap3A_1432 = arith.constant 7 : i32
    %swap3A_1433 = arith.index_cast %swap3A_1432 : i32 to index
    %swap3A_1434 = arith.constant 16 : index
    %swap3A_1435 = tpu.vector_load %arg10[%swap3A_1433, %swap3A_1434] {strides = array<i32>} : memref<8x128xf32, #tpu.memory_space<vmem>>, vector<1x16xf32>,
    %swap3A_1436 = vector.shape_cast %swap3A_1435 : vector<1x16xf32> to vector<16xf32>
    %swap3A_1437 = vector.shape_cast %add3A_1431 : vector<16xf32> to vector<1x16xf32>
    tpu.vector_store %arg10[%swap3A_1433, %swap3A_1434], %swap3A_1437 {strides = array<i32>} : memref<8x128xf32, #tpu.memory_space<vmem>>, vector<1x16xf32>,
    %get3A_1438 = arith.constant 7 : i32
    %get3A_1439 = arith.index_cast %get3A_1438 : i32 to index
    %get3A_1440 = arith.constant 32 : index
    %get3A_1441 = tpu.vector_load %arg10[%get3A_1439, %get3A_1440] {strides = array<i32>} : memref<8x128xf32, #tpu.memory_space<vmem>>, vector<1x16xf32>,
    %get3A_1442 = vector.shape_cast %get3A_1441 : vector<1x16xf32> to vector<16xf32>
    %get3A_1443 = arith.constant 7 : i32
    %get3A_1444 = arith.index_cast %get3A_1443 : i32 to index
    %get3A_1445 = arith.constant 32 : index
    %get3A_1446 = tpu.vector_load %arg11[%get3A_1444, %get3A_1445] {strides = array<i32>} : memref<8x128xf32, #tpu.memory_space<vmem>>, vector<1x16xf32>,
    %get3A_1447 = vector.shape_cast %get3A_1446 : vector<1x16xf32> to vector<16xf32>
    %add3A_1448 = arith.addf %get3A_1442, %get3A_1447 : vector<16xf32>
    %add3A_1449 = arith.addf %add3A_1448, %get3A_192 : vector<16xf32>
    %swap3A_1450 = arith.constant 7 : i32
    %swap3A_1451 = arith.index_cast %swap3A_1450 : i32 to index
    %swap3A_1452 = arith.constant 32 : index
    %swap3A_1453 = tpu.vector_load %arg10[%swap3A_1451, %swap3A_1452] {strides = array<i32>} : memref<8x128xf32, #tpu.memory_space<vmem>>, vector<1x16xf32>,
    %swap3A_1454 = vector.shape_cast %swap3A_1453 : vector<1x16xf32> to vector<16xf32>
    %swap3A_1455 = vector.shape_cast %add3A_1449 : vector<16xf32> to vector<1x16xf32>
    tpu.vector_store %arg10[%swap3A_1451, %swap3A_1452], %swap3A_1455 {strides = array<i32>} : memref<8x128xf32, #tpu.memory_space<vmem>>, vector<1x16xf32>,
    %get3A_1456 = arith.constant 7 : i32
    %get3A_1457 = arith.index_cast %get3A_1456 : i32 to index
    %get3A_1458 = arith.constant 48 : index
    %get3A_1459 = tpu.vector_load %arg10[%get3A_1457, %get3A_1458] {strides = array<i32>} : memref<8x128xf32, #tpu.memory_space<vmem>>, vector<1x16xf32>,
    %get3A_1460 = vector.shape_cast %get3A_1459 : vector<1x16xf32> to vector<16xf32>
    %get3A_1461 = arith.constant 7 : i32
    %get3A_1462 = arith.index_cast %get3A_1461 : i32 to index
    %get3A_1463 = arith.constant 48 : index
    %get3A_1464 = tpu.vector_load %arg11[%get3A_1462, %get3A_1463] {strides = array<i32>} : memref<8x128xf32, #tpu.memory_space<vmem>>, vector<1x16xf32>,
    %get3A_1465 = vector.shape_cast %get3A_1464 : vector<1x16xf32> to vector<16xf32>
    %add3A_1466 = arith.addf %get3A_1460, %get3A_1465 : vector<16xf32>
    %add3A_1467 = arith.addf %add3A_1466, %get3A_192 : vector<16xf32>
    %swap3A_1468 = arith.constant 7 : i32
    %swap3A_1469 = arith.index_cast %swap3A_1468 : i32 to index
    %swap3A_1470 = arith.constant 48 : index
    %swap3A_1471 = tpu.vector_load %arg10[%swap3A_1469, %swap3A_1470] {strides = array<i32>} : memref<8x128xf32, #tpu.memory_space<vmem>>, vector<1x16xf32>,
    %swap3A_1472 = vector.shape_cast %swap3A_1471 : vector<1x16xf32> to vector<16xf32>
    %swap3A_1473 = vector.shape_cast %add3A_1467 : vector<16xf32> to vector<1x16xf32>
    tpu.vector_store %arg10[%swap3A_1469, %swap3A_1470], %swap3A_1473 {strides = array<i32>} : memref<8x128xf32, #tpu.memory_space<vmem>>, vector<1x16xf32>,
    %get3A_1474 = arith.constant 7 : i32
    %get3A_1475 = arith.index_cast %get3A_1474 : i32 to index
    %get3A_1476 = arith.constant 64 : index
    %get3A_1477 = tpu.vector_load %arg10[%get3A_1475, %get3A_1476] {strides = array<i32>} : memref<8x128xf32, #tpu.memory_space<vmem>>, vector<1x16xf32>,
    %get3A_1478 = vector.shape_cast %get3A_1477 : vector<1x16xf32> to vector<16xf32>
    %get3A_1479 = arith.constant 7 : i32
    %get3A_1480 = arith.index_cast %get3A_1479 : i32 to index
    %get3A_1481 = arith.constant 64 : index
    %get3A_1482 = tpu.vector_load %arg11[%get3A_1480, %get3A_1481] {strides = array<i32>} : memref<8x128xf32, #tpu.memory_space<vmem>>, vector<1x16xf32>,
    %get3A_1483 = vector.shape_cast %get3A_1482 : vector<1x16xf32> to vector<16xf32>
    %add3A_1484 = arith.addf %get3A_1478, %get3A_1483 : vector<16xf32>
    %add3A_1485 = arith.addf %add3A_1484, %get3A_192 : vector<16xf32>
    %swap3A_1486 = arith.constant 7 : i32
    %swap3A_1487 = arith.index_cast %swap3A_1486 : i32 to index
    %swap3A_1488 = arith.constant 64 : index
    %swap3A_1489 = tpu.vector_load %arg10[%swap3A_1487, %swap3A_1488] {strides = array<i32>} : memref<8x128xf32, #tpu.memory_space<vmem>>, vector<1x16xf32>,
    %swap3A_1490 = vector.shape_cast %swap3A_1489 : vector<1x16xf32> to vector<16xf32>
    %swap3A_1491 = vector.shape_cast %add3A_1485 : vector<16xf32> to vector<1x16xf32>
    tpu.vector_store %arg10[%swap3A_1487, %swap3A_1488], %swap3A_1491 {strides = array<i32>} : memref<8x128xf32, #tpu.memory_space<vmem>>, vector<1x16xf32>,
    %get3A_1492 = arith.constant 7 : i32
    %get3A_1493 = arith.index_cast %get3A_1492 : i32 to index
    %get3A_1494 = arith.constant 80 : index
    %get3A_1495 = tpu.vector_load %arg10[%get3A_1493, %get3A_1494] {strides = array<i32>} : memref<8x128xf32, #tpu.memory_space<vmem>>, vector<1x16xf32>,
    %get3A_1496 = vector.shape_cast %get3A_1495 : vector<1x16xf32> to vector<16xf32>
    %get3A_1497 = arith.constant 7 : i32
    %get3A_1498 = arith.index_cast %get3A_1497 : i32 to index
    %get3A_1499 = arith.constant 80 : index
    %get3A_1500 = tpu.vector_load %arg11[%get3A_1498, %get3A_1499] {strides = array<i32>} : memref<8x128xf32, #tpu.memory_space<vmem>>, vector<1x16xf32>,
    %get3A_1501 = vector.shape_cast %get3A_1500 : vector<1x16xf32> to vector<16xf32>
    %add3A_1502 = arith.addf %get3A_1496, %get3A_1501 : vector<16xf32>
    %add3A_1503 = arith.addf %add3A_1502, %get3A_192 : vector<16xf32>
    %swap3A_1504 = arith.constant 7 : i32
    %swap3A_1505 = arith.index_cast %swap3A_1504 : i32 to index
    %swap3A_1506 = arith.constant 80 : index
    %swap3A_1507 = tpu.vector_load %arg10[%swap3A_1505, %swap3A_1506] {strides = array<i32>} : memref<8x128xf32, #tpu.memory_space<vmem>>, vector<1x16xf32>,
    %swap3A_1508 = vector.shape_cast %swap3A_1507 : vector<1x16xf32> to vector<16xf32>
    %swap3A_1509 = vector.shape_cast %add3A_1503 : vector<16xf32> to vector<1x16xf32>
    tpu.vector_store %arg10[%swap3A_1505, %swap3A_1506], %swap3A_1509 {strides = array<i32>} : memref<8x128xf32, #tpu.memory_space<vmem>>, vector<1x16xf32>,
    %get3A_1510 = arith.constant 7 : i32
    %get3A_1511 = arith.index_cast %get3A_1510 : i32 to index
    %get3A_1512 = arith.constant 96 : index
    %get3A_1513 = tpu.vector_load %arg10[%get3A_1511, %get3A_1512] {strides = array<i32>} : memref<8x128xf32, #tpu.memory_space<vmem>>, vector<1x16xf32>,
    %get3A_1514 = vector.shape_cast %get3A_1513 : vector<1x16xf32> to vector<16xf32>
    %get3A_1515 = arith.constant 7 : i32
    %get3A_1516 = arith.index_cast %get3A_1515 : i32 to index
    %get3A_1517 = arith.constant 96 : index
    %get3A_1518 = tpu.vector_load %arg11[%get3A_1516, %get3A_1517] {strides = array<i32>} : memref<8x128xf32, #tpu.memory_space<vmem>>, vector<1x16xf32>,
    %get3A_1519 = vector.shape_cast %get3A_1518 : vector<1x16xf32> to vector<16xf32>
    %add3A_1520 = arith.addf %get3A_1514, %get3A_1519 : vector<16xf32>
    %add3A_1521 = arith.addf %add3A_1520, %get3A_192 : vector<16xf32>
    %swap3A_1522 = arith.constant 7 : i32
    %swap3A_1523 = arith.index_cast %swap3A_1522 : i32 to index
    %swap3A_1524 = arith.constant 96 : index
    %swap3A_1525 = tpu.vector_load %arg10[%swap3A_1523, %swap3A_1524] {strides = array<i32>} : memref<8x128xf32, #tpu.memory_space<vmem>>, vector<1x16xf32>,
    %swap3A_1526 = vector.shape_cast %swap3A_1525 : vector<1x16xf32> to vector<16xf32>
    %swap3A_1527 = vector.shape_cast %add3A_1521 : vector<16xf32> to vector<1x16xf32>
    tpu.vector_store %arg10[%swap3A_1523, %swap3A_1524], %swap3A_1527 {strides = array<i32>} : memref<8x128xf32, #tpu.memory_space<vmem>>, vector<1x16xf32>,
    %get3A_1528 = arith.constant 7 : i32
    %get3A_1529 = arith.index_cast %get3A_1528 : i32 to index
    %get3A_1530 = arith.constant 112 : index
    %get3A_1531 = tpu.vector_load %arg10[%get3A_1529, %get3A_1530] {strides = array<i32>} : memref<8x128xf32, #tpu.memory_space<vmem>>, vector<1x16xf32>,
    %get3A_1532 = vector.shape_cast %get3A_1531 : vector<1x16xf32> to vector<16xf32>
    %get3A_1533 = arith.constant 7 : i32
    %get3A_1534 = arith.index_cast %get3A_1533 : i32 to index
    %get3A_1535 = arith.constant 112 : index
    %get3A_1536 = tpu.vector_load %arg11[%get3A_1534, %get3A_1535] {strides = array<i32>} : memref<8x128xf32, #tpu.memory_space<vmem>>, vector<1x16xf32>,
    %get3A_1537 = vector.shape_cast %get3A_1536 : vector<1x16xf32> to vector<16xf32>
    %add3A_1538 = arith.addf %get3A_1532, %get3A_1537 : vector<16xf32>
    %add3A_1539 = arith.addf %add3A_1538, %get3A_192 : vector<16xf32>
    %swap3A_1540 = arith.constant 7 : i32
    %swap3A_1541 = arith.index_cast %swap3A_1540 : i32 to index
    %swap3A_1542 = arith.constant 112 : index
    %swap3A_1543 = tpu.vector_load %arg10[%swap3A_1541, %swap3A_1542] {strides = array<i32>} : memref<8x128xf32, #tpu.memory_space<vmem>>, vector<1x16xf32>,
    %swap3A_1544 = vector.shape_cast %swap3A_1543 : vector<1x16xf32> to vector<16xf32>
    %swap3A_1545 = vector.shape_cast %add3A_1539 : vector<16xf32> to vector<1x16xf32>
    tpu.vector_store %arg10[%swap3A_1541, %swap3A_1542], %swap3A_1545 {strides = array<i32>} : memref<8x128xf32, #tpu.memory_space<vmem>>, vector<1x16xf32>,
    %dma_start3A_1546 = arith.constant 6 : i32
    %dma_start3A_1547 = arith.constant 0 : i32
    %dma_start3A_1548 = tpu.memref_slice %arg10[%dma_start3A_1546, %dma_start3A_1547] : memref<8x128xf32, #tpu.memory_space<vmem>> -> memref<2x128xf32, #tpu.memory_space<vmem>>
    %dma_start3A_1549 = arith.constant 6 : i32
    %dma_start3A_1550 = arith.constant 0 : i32
    %dma_start3A_1551 = tpu.memref_slice %arg7[%add3A, %dma_start3A_1549, %dma_start3A_1550] : memref<16x8x128xf32, #tpu.memory_space<hbm>> -> memref<1x2x128xf32, #tpu.memory_space<hbm>>
    %dma_start3A_1552 = tpu.memref_squeeze %dma_start3A_1551 : memref<1x2x128xf32, #tpu.memory_space<hbm>> -> memref<2x128xf32, #tpu.memory_space<hbm>>
    %dma_start3A_1553 = arith.constant 6 : i32
    %dma_start3A_1554 = arith.constant 0 : i32
    %dma_start3A_1555 = tpu.memref_slice %arg7[%add3A, %dma_start3A_1553, %dma_start3A_1554] : memref<16x8x128xf32, #tpu.memory_space<hbm>> -> memref<1x2x128xf32, #tpu.memory_space<hbm>>
    %dma_start3A_1556 = tpu.memref_squeeze %dma_start3A_1555 : memref<1x2x128xf32, #tpu.memory_space<hbm>> -> memref<2x128xf32, #tpu.memory_space<hbm>>
    %dma_start3A_1557 = arith.constant 6 : i32
    %dma_start3A_1558 = arith.constant 0 : i32
    %dma_start3A_1559 = tpu.memref_slice %arg10[%dma_start3A_1557, %dma_start3A_1558] : memref<8x128xf32, #tpu.memory_space<vmem>> -> memref<2x128xf32, #tpu.memory_space<vmem>>
    tpu.enqueue_dma source(%dma_start3A_1559 : memref<2x128xf32, #tpu.memory_space<vmem>>) target(%dma_start3A_1556 : memref<2x128xf32, #tpu.memory_space<hbm>>) target_semaphore(%arg18 : memref<!tpu.dma_semaphore, #tpu.memory_space<semaphore_mem>>)
    %dma_wait3A_1560 = arith.constant 0 : i32
    %dma_wait3A_1561 = arith.constant 0 : i32
    %dma_wait3A_1562 = tpu.memref_slice %arg10[%dma_wait3A_1560, %dma_wait3A_1561] : memref<8x128xf32, #tpu.memory_space<vmem>> -> memref<2x128xf32, #tpu.memory_space<vmem>>
    %dma_wait3A_1563 = arith.constant 0 : i32
    %dma_wait3A_1564 = arith.constant 0 : i32
    %dma_wait3A_1565 = tpu.memref_slice %arg7[%add3A, %dma_wait3A_1563, %dma_wait3A_1564] : memref<16x8x128xf32, #tpu.memory_space<hbm>> -> memref<1x2x128xf32, #tpu.memory_space<hbm>>
    %dma_wait3A_1566 = tpu.memref_squeeze %dma_wait3A_1565 : memref<1x2x128xf32, #tpu.memory_space<hbm>> -> memref<2x128xf32, #tpu.memory_space<hbm>>
    %dma_wait3A_1567 = arith.constant 0 : i32
    %dma_wait3A_1568 = arith.constant 0 : i32
    %dma_wait3A_1569 = tpu.memref_slice %arg7[%add3A, %dma_wait3A_1567, %dma_wait3A_1568] : memref<16x8x128xf32, #tpu.memory_space<hbm>> -> memref<1x2x128xf32, #tpu.memory_space<hbm>>
    %dma_wait3A_1570 = tpu.memref_squeeze %dma_wait3A_1569 : memref<1x2x128xf32, #tpu.memory_space<hbm>> -> memref<2x128xf32, #tpu.memory_space<hbm>>
    %dma_wait3A_1571 = arith.constant 0 : i32
    %dma_wait3A_1572 = arith.constant 0 : i32
    %dma_wait3A_1573 = tpu.memref_slice %arg10[%dma_wait3A_1571, %dma_wait3A_1572] : memref<8x128xf32, #tpu.memory_space<vmem>> -> memref<2x128xf32, #tpu.memory_space<vmem>>
    tpu.wait_dma2 semaphore(%arg18 : memref<!tpu.dma_semaphore, #tpu.memory_space<semaphore_mem>>) src(%dma_wait3A_1573 : memref<2x128xf32, #tpu.memory_space<vmem>>) dst(%dma_wait3A_1570 : memref<2x128xf32, #tpu.memory_space<hbm>>)
    %dma_wait3A_1574 = arith.constant 2 : i32
    %dma_wait3A_1575 = arith.constant 0 : i32
    %dma_wait3A_1576 = tpu.memref_slice %arg10[%dma_wait3A_1574, %dma_wait3A_1575] : memref<8x128xf32, #tpu.memory_space<vmem>> -> memref<2x128xf32, #tpu.memory_space<vmem>>
    %dma_wait3A_1577 = arith.constant 2 : i32
    %dma_wait3A_1578 = arith.constant 0 : i32
    %dma_wait3A_1579 = tpu.memref_slice %arg7[%add3A, %dma_wait3A_1577, %dma_wait3A_1578] : memref<16x8x128xf32, #tpu.memory_space<hbm>> -> memref<1x2x128xf32, #tpu.memory_space<hbm>>
    %dma_wait3A_1580 = tpu.memref_squeeze %dma_wait3A_1579 : memref<1x2x128xf32, #tpu.memory_space<hbm>> -> memref<2x128xf32, #tpu.memory_space<hbm>>
    %dma_wait3A_1581 = arith.constant 2 : i32
    %dma_wait3A_1582 = arith.constant 0 : i32
    %dma_wait3A_1583 = tpu.memref_slice %arg7[%add3A, %dma_wait3A_1581, %dma_wait3A_1582] : memref<16x8x128xf32, #tpu.memory_space<hbm>> -> memref<1x2x128xf32, #tpu.memory_space<hbm>>
    %dma_wait3A_1584 = tpu.memref_squeeze %dma_wait3A_1583 : memref<1x2x128xf32, #tpu.memory_space<hbm>> -> memref<2x128xf32, #tpu.memory_space<hbm>>
    %dma_wait3A_1585 = arith.constant 2 : i32
    %dma_wait3A_1586 = arith.constant 0 : i32
    %dma_wait3A_1587 = tpu.memref_slice %arg10[%dma_wait3A_1585, %dma_wait3A_1586] : memref<8x128xf32, #tpu.memory_space<vmem>> -> memref<2x128xf32, #tpu.memory_space<vmem>>
    tpu.wait_dma2 semaphore(%arg18 : memref<!tpu.dma_semaphore, #tpu.memory_space<semaphore_mem>>) src(%dma_wait3A_1587 : memref<2x128xf32, #tpu.memory_space<vmem>>) dst(%dma_wait3A_1584 : memref<2x128xf32, #tpu.memory_space<hbm>>)
    %dma_wait3A_1588 = arith.constant 4 : i32
    %dma_wait3A_1589 = arith.constant 0 : i32
    %dma_wait3A_1590 = tpu.memref_slice %arg10[%dma_wait3A_1588, %dma_wait3A_1589] : memref<8x128xf32, #tpu.memory_space<vmem>> -> memref<2x128xf32, #tpu.memory_space<vmem>>
    %dma_wait3A_1591 = arith.constant 4 : i32
    %dma_wait3A_1592 = arith.constant 0 : i32
    %dma_wait3A_1593 = tpu.memref_slice %arg7[%add3A, %dma_wait3A_1591, %dma_wait3A_1592] : memref<16x8x128xf32, #tpu.memory_space<hbm>> -> memref<1x2x128xf32, #tpu.memory_space<hbm>>
    %dma_wait3A_1594 = tpu.memref_squeeze %dma_wait3A_1593 : memref<1x2x128xf32, #tpu.memory_space<hbm>> -> memref<2x128xf32, #tpu.memory_space<hbm>>
    %dma_wait3A_1595 = arith.constant 4 : i32
    %dma_wait3A_1596 = arith.constant 0 : i32
    %dma_wait3A_1597 = tpu.memref_slice %arg7[%add3A, %dma_wait3A_1595, %dma_wait3A_1596] : memref<16x8x128xf32, #tpu.memory_space<hbm>> -> memref<1x2x128xf32, #tpu.memory_space<hbm>>
    %dma_wait3A_1598 = tpu.memref_squeeze %dma_wait3A_1597 : memref<1x2x128xf32, #tpu.memory_space<hbm>> -> memref<2x128xf32, #tpu.memory_space<hbm>>
    %dma_wait3A_1599 = arith.constant 4 : i32
    %dma_wait3A_1600 = arith.constant 0 : i32
    %dma_wait3A_1601 = tpu.memref_slice %arg10[%dma_wait3A_1599, %dma_wait3A_1600] : memref<8x128xf32, #tpu.memory_space<vmem>> -> memref<2x128xf32, #tpu.memory_space<vmem>>
    tpu.wait_dma2 semaphore(%arg18 : memref<!tpu.dma_semaphore, #tpu.memory_space<semaphore_mem>>) src(%dma_wait3A_1601 : memref<2x128xf32, #tpu.memory_space<vmem>>) dst(%dma_wait3A_1598 : memref<2x128xf32, #tpu.memory_space<hbm>>)
    %dma_wait3A_1602 = arith.constant 6 : i32
    %dma_wait3A_1603 = arith.constant 0 : i32
    %dma_wait3A_1604 = tpu.memref_slice %arg10[%dma_wait3A_1602, %dma_wait3A_1603] : memref<8x128xf32, #tpu.memory_space<vmem>> -> memref<2x128xf32, #tpu.memory_space<vmem>>
    %dma_wait3A_1605 = arith.constant 6 : i32
    %dma_wait3A_1606 = arith.constant 0 : i32
    %dma_wait3A_1607 = tpu.memref_slice %arg7[%add3A, %dma_wait3A_1605, %dma_wait3A_1606] : memref<16x8x128xf32, #tpu.memory_space<hbm>> -> memref<1x2x128xf32, #tpu.memory_space<hbm>>
    %dma_wait3A_1608 = tpu.memref_squeeze %dma_wait3A_1607 : memref<1x2x128xf32, #tpu.memory_space<hbm>> -> memref<2x128xf32, #tpu.memory_space<hbm>>
    %dma_wait3A_1609 = arith.constant 6 : i32
    %dma_wait3A_1610 = arith.constant 0 : i32
    %dma_wait3A_1611 = tpu.memref_slice %arg7[%add3A, %dma_wait3A_1609, %dma_wait3A_1610] : memref<16x8x128xf32, #tpu.memory_space<hbm>> -> memref<1x2x128xf32, #tpu.memory_space<hbm>>
    %dma_wait3A_1612 = tpu.memref_squeeze %dma_wait3A_1611 : memref<1x2x128xf32, #tpu.memory_space<hbm>> -> memref<2x128xf32, #tpu.memory_space<hbm>>
    %dma_wait3A_1613 = arith.constant 6 : i32
    %dma_wait3A_1614 = arith.constant 0 : i32
    %dma_wait3A_1615 = tpu.memref_slice %arg10[%dma_wait3A_1613, %dma_wait3A_1614] : memref<8x128xf32, #tpu.memory_space<vmem>> -> memref<2x128xf32, #tpu.memory_space<vmem>>
    tpu.wait_dma2 semaphore(%arg18 : memref<!tpu.dma_semaphore, #tpu.memory_space<semaphore_mem>>) src(%dma_wait3A_1615 : memref<2x128xf32, #tpu.memory_space<vmem>>) dst(%dma_wait3A_1612 : memref<2x128xf32, #tpu.memory_space<hbm>>)
    return
  }
}

</mosaic_0001>

<sc_bundles>
// kernel: kernel.3.cloned.1.call-start
scs
__scs_entry_jumppad:
0x0: {  	(pc) =	sbr.rel $0x88, $3  }
0x1: {  	(tag) =	ssettag $0x0;
	lr =	simm.s32 $0x1  }
0x2: {  	[smem:$0x3F9C] =	sst lr;
	_ =	strace $0xD0000000  }
0x3: {  	_ = 	snop  }
0x4: {  	_ = 	snop  }
0x5: {  	_ = 	snop  }
0x6: {  	_ = 	snop  }
0x7: {  	_ = 	snop  }
__scs_overlays_trampoline_lowered:
0x8: {  	[smem:$0x3FAB] =	sst s0  }
0x9: {  	[smem:$0x3FAC] =	sst s1  }
0xa: {  	[smem:$0x3FAD] =	sst s2  }
0xb: {  	[smem:$0x3FAE] =	sst s3  }
0xc: {  	[smem:$0x3FAF] =	sst s4  }
0xd: {  	[smem:$0x3FB0] =	sst s5  }
0xe: {  	[smem:$0x3FB1] =	sst s6  }
0xf: {  	[smem:$0x3FB2] =	sst s7  }
0x10: {  	[smem:$0x3FB3] =	sst s8  }
0x11: {  	[smem:$0x3FB4] =	sst s9;
	s0 =	simm.s32 @!p0 $0x0  }
0x12: {  	s1 =	sld [smem:$0x3F9A];
	s0 =	simm.s32 @p0 $0x1  }
0x13: {  	[smem:$0x3FB5] =	sst s0;
	s0 =	simm.s32 @!p1 $0x0  }
0x14: {  	s2 =	sld [smem:$0x3F99];
	s0 =	simm.s32 @p1 $0x1  }
0x15: {  	[smem:$0x3FB6] =	sst s0;
	s0 =	simm.s32 @!p2 $0x0  }
0x16: {  	s3 =	sld [smem:$0x3FDB];
	s0 =	simm.s32 @p2 $0x1  }
0x17: {  	s4 =	simm.s32 $0x1BF5;
	[smem:$0x3FB8] =	sst s0  }
0x18: {  	s0 =	sld [smem:$0x3F9B];
	_ =	swait.ge [sflag:s4], $0x0  }
0x19: {  	s7 =	sld [smem:$0x3F9C]  }
0x1a: {  	s8 =	sadd.s32 $0xFFFFE003, lr  }
0x1b: {  	s9 =	sadd.s32 $0xFFFFFEF7, lr;
	s5 =	simm.s32 $0xFFFFFFFF;
	p2 =	slt.u32 s8, $0xFFFFF086  }
0x1c: {  	p1 =	slt.u32 s9, $0xF7A;
	s5 =	simm.s32 @!p2 $0x0  }
0x1d: {  	s5 =	simm.s32 @p1 $0x1;
	p0 =	seq.s32 s7, s2  }
0x1e: {  	s7 =	smul.u32 @!p0 $0xF7A, s2;
	p2 =	seq.s32 @!p0 s5, $0x0  }
0x1f: {  	s9 =	smul.u32 $0xF7A, s1;
	s8 =	simm.s32 @!p0 $0x1BF5;
	p2 =	por !p2, p0  }
0x20: {  	[sflag:s8] =	ssyncset.s32 @!p0 $0xFFFFF086;
	s6 =	sadd.s32 @!p0 s3, s7;
	s7 =	simm.s32 @!p0 $0x108  }
0x21: {  	s3 =	sadd.s32 s3, s9;
	s6 =	sadd.s32 @!p0 $0x88, s6;
	s7 =	simm.s32 @p2 $0x1082  }
0x22: {  	[simem:s7], [sflag:s8] =	dma.local @!p0 [hbm:s6], $0xF7A  }
0x23: {  	s9 =	sor.u32 $0xD0000000, s2;
	s6 =	simm.s32 $0x108;
	_ =	swait.ge @!p0 [sflag:s8], $0x0  }
0x24: {  	s3 =	sadd.s32 $0x88, s3;
	s6 =	simm.s32 @!p1 $0x1082;
	[sflag:s4] =	ssyncset.s32 $0xFFFFF086  }
0x25: {  	[simem:s6], [sflag:s4] =	dma.local [hbm:s3], $0xF7A  }
0x26: {  	[smem:$0x3F9C] =	sst s1;
	(tag) =	ssettag s2;
	_ =	strace s9  }
0x27: {  	s1 =	sld [smem:$0x3FAC]  }
0x28: {  	s2 =	sld [smem:$0x3FAD]  }
0x29: {  	s4 =	sld [smem:$0x3FAF]  }
0x2a: {  	p0 =	seq.s32 s5, $0x0;
	s5 =	sld [smem:$0x3FB0]  }
0x2b: {  	s6 =	sld [smem:$0x3FB1]  }
0x2c: {  	s7 =	sld [smem:$0x3FB2]  }
0x2d: {  	s3 =	simm.s32 $0x108;
	s8 =	sld [smem:$0x3FB3]  }
0x2e: {  	s3 =	simm.s32 @!p0 $0x1082;
	s9 =	sld [smem:$0x3FB4]  }
0x2f: {  	lr =	sadd.s32 s0, s3;
	s0 =	sld [smem:$0x3FAB]  }
0x30: {  	s3 =	sld [smem:$0x3FAE]  }
0x31: {  	[smem:$0x3FB7] =	sst s10  }
0x32: {  	s10 =	sld [smem:$0x3FB5];
	_ =	sdelay $0x3  }
0x33: {  	p0 =	seq.s32 s10, $0x1;
	s10 =	sld [smem:$0x3FB7];
	_ =	sdelay $0x3  }
0x34: {  	[smem:$0x3FB7] =	sst s10  }
0x35: {  	s10 =	sld [smem:$0x3FB6];
	_ =	sdelay $0x3  }
0x36: {  	p1 =	seq.s32 s10, $0x1;
	s10 =	sld [smem:$0x3FB7];
	_ =	sdelay $0x3  }
0x37: {  	[smem:$0x3FB7] =	sst s10  }
0x38: {  	s10 =	sld [smem:$0x3FB8]  }
0x39: {  	_ = 	snop;
	(pc) =	sbr.ind lr, $3  }
0x3a: {  	_ = 	snop  }
0x3b: {  	_ = 	snop  }
0x3c: {  	p2 =	seq.s32 s10, $0x1;
	s10 =	sld [smem:$0x3FB7]  }
0x3d: {  	_ =	shalt  }
0x3e: {  	_ =	shalt  }
0x3f: {  	_ =	shalt  }
0x40: {  	_ =	shalt  }
0x41: {  	_ =	shalt  }
0x42: {  	_ =	shalt  }
0x43: {  	_ =	shalt  }
0x44: {  	_ =	shalt  }
0x45: {  	_ =	shalt  }
0x46: {  	_ =	shalt  }
0x47: {  	_ =	shalt  }
0x48: {  	_ =	shalt  }
0x49: {  	_ =	shalt  }
0x4a: {  	_ =	shalt  }
0x4b: {  	_ =	shalt  }
0x4c: {  	_ =	shalt  }
0x4d: {  	_ =	shalt  }
0x4e: {  	_ =	shalt  }
0x4f: {  	_ =	shalt  }
0x50: {  	_ =	shalt  }
0x51: {  	_ =	shalt  }
0x52: {  	_ =	shalt  }
0x53: {  	_ =	shalt  }
0x54: {  	_ =	shalt  }
0x55: {  	_ =	shalt  }
0x56: {  	_ =	shalt  }
0x57: {  	_ =	shalt  }
0x58: {  	_ =	shalt  }
0x59: {  	_ =	shalt  }
0x5a: {  	_ =	shalt  }
0x5b: {  	_ =	shalt  }
0x5c: {  	_ =	shalt  }
0x5d: {  	_ =	shalt  }
0x5e: {  	_ =	shalt  }
0x5f: {  	_ =	shalt  }
0x60: {  	_ =	shalt  }
0x61: {  	_ =	shalt  }
0x62: {  	_ =	shalt  }
0x63: {  	_ =	shalt  }
0x64: {  	_ =	shalt  }
0x65: {  	_ =	shalt  }
0x66: {  	_ =	shalt  }
0x67: {  	_ =	shalt  }
0x68: {  	_ =	shalt  }
0x69: {  	_ =	shalt  }
0x6a: {  	_ =	shalt  }
0x6b: {  	_ =	shalt  }
0x6c: {  	_ =	shalt  }
0x6d: {  	_ =	shalt  }
0x6e: {  	_ =	shalt  }
0x6f: {  	_ =	shalt  }
0x70: {  	_ =	shalt  }
0x71: {  	_ =	shalt  }
0x72: {  	_ =	shalt  }
0x73: {  	_ =	shalt  }
0x74: {  	_ =	shalt  }
0x75: {  	_ =	shalt  }
0x76: {  	_ =	shalt  }
0x77: {  	_ =	shalt  }
0x78: {  	_ =	shalt  }
0x79: {  	_ =	shalt  }
0x7a: {  	_ =	shalt  }
0x7b: {  	_ =	shalt  }
0x7c: {  	_ =	shalt  }
0x7d: {  	_ =	shalt  }
0x7e: {  	_ =	shalt  }
0x7f: {  	_ =	shalt  }
0x80: {  	_ =	shalt  }
0x81: {  	_ =	shalt  }
0x82: {  	_ =	shalt  }
0x83: {  	_ =	shalt  }
0x84: {  	_ =	shalt  }
0x85: {  	_ =	shalt  }
0x86: {  	_ =	shalt  }
0x87: {  	_ =	shalt  }
.Lfunc_end0:
.L_simem_size_0:
called_computation_lowered:
.L_overlay_start_0:
0x88: {  	s0 =	sld [smem:$0x3FD9]  }
0x89: {  	s1 =	sld [smem:$0x3FFE];
	_ =	sdelay $0x3  }
0x8a: {  	s0 =	sadd.s32 s1, s0  }
0x8b: {  	[smem:$0x3FC3] =	sst s0  }
0x8c: {  	_ = 	snop  }
0x8d: {  	s0 =	sld [smem:$0x3FC9]  }
0x8e: {  	s16 =	sld [smem:$0x3FC8]  }
0x8f: {  	s2 =	sld [smem:$0x3FC7]  }
0x90: {  	s3 =	sld [smem:$0x3FC6]  }
0x91: {  	s4 =	sld [smem:$0x3FD0];
	(tm) =	ssettm $0x1  }
0x92: {  	s5 =	sld [smem:$0x3FFB];
	_ =	sdelay $0x3  }
0x93: {  	_ =	strace s5  }
0x94: {  	s5 =	sld [smem:$0x3FFC];
	_ =	sdelay $0x3  }
0x95: {  	_ =	strace s5  }
0x96: {  	s5 =	sld [smem:$0x3FFD];
	_ =	sdelay $0x3  }
0x97: {  	_ =	strace s5  }
0x98: {  	_ =	strace $0x8FFFFFFF  }
0x99: {  	s17 =	sld [smem:$0x3FDB];
	_ =	sdelay $0x1  }
0x9a: {  	s6 =	simm.s32 $_scs_section_size  }
0x9b: {  	s7 =	simm.s32 $_size__tile_overlayer_lowered;
	s8 =	simm.s32 $_tile_overlayer_lowered  }
0x9c: {  	s20 =	simm.s32 $0x1BFF;
	s19 =	sshll.u32 s8, $0x1;
	s5 =	sadd.s32 s6, s17  }
0x9d: {  	s9 =	simm.s32 $0x0;
	s18 =	sshll.u32 s7, $0x1;
	s7 =	sadd.s32 s19, s5  }
0x9e: {  	[timem:s9], [sflag:s20] =	dma.local [hbm:s7], s18  }
0x9f: {  	_ =	swait.ge [sflag:s20], s18  }
0xa0: {  	s6 =	ssub.s32 $0x0, s18;
	[sflag:s20] =	ssyncset.done $0x0  }
0xa1: {  	[sflag:s20] =	ssyncadd.s32 s6;
	_ =	sdelay $0x1  }
0xa2: {  	s21 =	simm.s32 $0x1B8B  }
0xa3: {  	_ =	swait.ge [sflag:s21], $0x1  }
0xa4: {  	[sflag:s21] =	ssyncset.done $0x0  }
0xa5: {  	s23 =	simm.s32 $0x1B8E;
	s22 =	sld [smem:$0x3FFE];
	[sflag:s21] =	ssyncadd.s32 $0xFFFFFFFF  }
0xa6: {  	s24 =	simm.s32 $execute0_lowered;
	[smem:$0x3FD2] =	sst s23  }
0xa7: {  	s7 =	sshll.u32 s24, $0x1;
	_ =	strace $0x80000046;
	[dreg:$0x1] =	wrdreg $0xFFFFFFFF  }
0xa8: {  	s25 =	simm.s32 $_size_execute0_lowered;
	s5 =	sadd.s32 s5, s7;
	[dreg:$0x0] =	wrdreg $0x0  }
0xa9: {  	s7 =	sshll.u32 s25, $0x1;
	[dreg:$0x2] =	wrdreg s5  }
0xaa: {  	[dreg:$0x3] =	wrdreg s7  }
0xab: {  	[dreg:$0x4] =	wrdreg $0xC0  }
0xac: {  	_ =	task [dreg:s9], $0x5FFFF  }
0xad: {  	[dreg:$0x1] =	wrdreg $0xFFFFFFFF  }
0xae: {  	[dreg:$0x0] =	wrdreg $0x60  }
0xaf: {  	[dreg:$0x2] =	wrdreg s0  }
0xb0: {  	[dreg:$0x3] =	wrdreg s16  }
0xb1: {  	[dreg:$0x4] =	wrdreg s2  }
0xb2: {  	[dreg:$0x5] =	wrdreg s3  }
0xb3: {  	[dreg:$0x6] =	wrdreg s22  }
0xb4: {  	[dreg:$0x7] =	wrdreg s4  }
0xb5: {  	[dreg:$0x8] =	wrdreg $0x9  }
0xb6: {  	_ =	task.clear_ibuf [dreg:s9], $0x9FFFF;
	_ =	strace $0x90000046  }
0xb7: {  	s26 =	simm.s32 $0x9;
	_ =	strace $0x80000048  }
0xb8: {  	_ =	swait.ge [sflag:s26], $0x1  }
0xb9: {  	[sflag:s26] =	ssyncadd.s32 $0xFFFFFFFF  }
0xba: {  	_ =	strace $0x90000048  }
0xbb: {  	_ =	sfence  }
0xbc: {  	s28 =	sld [smem:$0x0];
	_ =	sdelay $0x1  }
0xbd: {  	s29 =	srdreg.scid  }
0xbe: {  	s30 =	sshll.u32 s29, $0xD;
	s31 =	sshrl.u32 s29, $0x2  }
0xbf: {  	s1 =	sand.u32 $0x1, s29;
	s2 =	sand.u32 $0x4000, s30;
	s0 =	sadd.s32 s31, s28  }
0xc0: {  	s1 =	sor.u32 s2, s1;
	s0 =	sshll.u32 s0, $0x11  }
0xc1: {  	s0 =	sor.u32 s0, s1  }
0xc2: {  	s0 =	sadd.s32 $0x8F2B, s0  }
0xc3: {  	[sflag:s0] =	ssyncadd.remote.s32 $0x1  }
0xc4: {  	_ =	sfence.sel $0xFFFF  }
0xc5: {  	[dreg:$0x0] =	wrdreg $0xFFFFFFFF;
	(pc) =	sbr.abs _section_cstart, $3  }
0xc6: {  	[dreg:$0x1] =	wrdreg $0xFFFFFFFF  }
0xc7: {  	_ =	task.clear_ibuf [dreg:s9], $0x2FFFF;
	_ =	strace $0x9FFFFFFF  }
0xc8: {  	(tm) =	ssettm $0x7FFFFFFF  }
0xc9: {  	_ =	shalt  }
tec
execute0_lowered:
.L_overlay_start_1:
0x0: {  	(tag) =	ssettag $0x1  }
0x1: {  	s3 =	rddreg [dreg:$0x0]  }
0x2: {  	s4 =	rddreg [dreg:$0x1]  }
0x3: {  	s10 =	rddreg [dreg:$0x2]  }
0x4: {  	s9 =	rddreg [dreg:$0x3]  }
0x5: {  	s6 =	rddreg [dreg:$0x4]  }
0x6: {  	s5 =	rddreg [dreg:$0x5]  }
0x7: {  	s0 =	rddreg [dreg:$0x6];
	s2 =	simm.s32 $0x0  }
0x8: {  	s1 =	stileid.u32;
	s8 =	simm.s32 $0x1000;
	[smem:$0x7FF] =	sst s2  }
0x9: {  	s6 =	sadd.s32 $0x400, s6;
	s7 =	sshll.u32 s1, $0x7;
	_ =	strace $0x80000047  }
0xa: {  	[tilespmem:s8], [sflag:$0x1] =	stream.linear.gather [hbm4b:s6+s2], $0x80, $0x38;
	[tilespmem:$0x1080] =	vst v63  }
0xb: {  	s3 =	sadd.s32 s3, s7  }
0xc: {  	[tilespmem:s2], [sflag:$0x1] =	stream.linear.gather [hbm4b:s3+s2], $0x400, $0x38;
	[tilespmem:$0x1080] =	vst v63  }
0xd: {  	s15 =	simm.s32 $0x400;
	s11 =	simm.s32 $0x1;
	s14 =	sadd.s32 s4, s7  }
0xe: {  	[tilespmem:s15], [sflag:$0x1] =	stream.linear.gather [hbm4b:s14+s2], $0x400, $0x38;
	[tilespmem:$0x1080] =	vst v63  }
0xf: {  	_ =	swait.ge [sflag:s11], $0x400  }
0x10: {  	[sflag:s11] =	ssyncset.done $0x0  }
0x11: {  	[sflag:s11] =	ssyncadd.s32 $0xFFFFFC00  }
0x12: {  	_ =	swait.ge [sflag:s11], $0x400  }
0x13: {  	[sflag:s11] =	ssyncset.done $0x0  }
0x14: {  	s12 =	simm.s32 $0x80;
	s8 =	simm.s32 $0x800;
	[sflag:s11] =	ssyncadd.s32 $0xFFFFFC00  }
0x15: {  	[tilespmem:s8], [sflag:$0x2] =	stream.indirect.gather [hbm4b:s10+s12], $0x1, s2, s12, $0xb8;
	[tilespmem:$0x1080] =	vst v63  }
0x16: {  	s16 =	simm.s32 $0xC00  }
0x17: {  	[tilespmem:s16], [sflag:$0x2] =	stream.indirect.gather [hbm4b:s9+s12], $0x1, s15, s12, $0xb8;
	[tilespmem:$0x1080] =	vst v63  }
0x18: {  	s17 =	simm.s32 $0x880  }
0x19: {  	[tilespmem:s17], [sflag:$0x2] =	stream.indirect.gather [hbm4b:s10+s12], $0x1, s12, s12, $0xb8;
	[tilespmem:$0x1080] =	vst v63  }
0x1a: {  	s18 =	simm.s32 $0x480;
	s19 =	simm.s32 $0xC80  }
0x1b: {  	[tilespmem:s19], [sflag:$0x2] =	stream.indirect.gather [hbm4b:s9+s12], $0x1, s18, s12, $0xb8;
	[tilespmem:$0x1080] =	vst v63  }
0x1c: {  	s20 =	simm.s32 $0x100;
	s6 =	simm.s32 $0x900  }
0x1d: {  	[tilespmem:s6], [sflag:$0x3] =	stream.indirect.gather [hbm4b:s10+s12], $0x1, s20, s12, $0xb8;
	[tilespmem:$0x1080] =	vst v63  }
0x1e: {  	s21 =	simm.s32 $0x500;
	s22 =	simm.s32 $0xD00  }
0x1f: {  	[tilespmem:s22], [sflag:$0x3] =	stream.indirect.gather [hbm4b:s9+s12], $0x1, s21, s12, $0xb8;
	[tilespmem:$0x1080] =	vst v63  }
0x20: {  	s23 =	simm.s32 $0x180;
	s24 =	simm.s32 $0x980  }
0x21: {  	[tilespmem:s24], [sflag:$0x3] =	stream.indirect.gather [hbm4b:s10+s12], $0x1, s23, s12, $0xb8;
	[tilespmem:$0x1080] =	vst v63  }
0x22: {  	s25 =	simm.s32 $0x580;
	s26 =	simm.s32 $0xD80  }
0x23: {  	[tilespmem:s26], [sflag:$0x3] =	stream.indirect.gather [hbm4b:s9+s12], $0x1, s25, s12, $0xb8;
	[tilespmem:$0x1080] =	vst v63  }
0x24: {  	s28 =	simm.s32 $0x200;
	s4 =	simm.s32 $0xA00  }
0x25: {  	[tilespmem:s4], [sflag:$0x4] =	stream.indirect.gather [hbm4b:s10+s12], $0x1, s28, s12, $0xb8;
	[tilespmem:$0x1080] =	vst v63  }
0x26: {  	s29 =	simm.s32 $0x600;
	s13 =	simm.s32 $0xE00  }
0x27: {  	[tilespmem:s13], [sflag:$0x4] =	stream.indirect.gather [hbm4b:s9+s12], $0x1, s29, s12, $0xb8;
	[tilespmem:$0x1080] =	vst v63  }
0x28: {  	s30 =	simm.s32 $0x280;
	s31 =	simm.s32 $0xA80  }
0x29: {  	[tilespmem:s31], [sflag:$0x4] =	stream.indirect.gather [hbm4b:s10+s12], $0x1, s30, s12, $0xb8;
	[tilespmem:$0x1080] =	vst v63  }
0x2a: {  	s14 =	simm.s32 $0x680;
	s15 =	simm.s32 $0xE80  }
0x2b: {  	[tilespmem:s15], [sflag:$0x4] =	stream.indirect.gather [hbm4b:s9+s12], $0x1, s14, s12, $0xb8;
	[tilespmem:$0x1080] =	vst v63  }
0x2c: {  	s16 =	simm.s32 $0x300;
	s17 =	simm.s32 $0xB00  }
0x2d: {  	[tilespmem:s17], [sflag:$0x5] =	stream.indirect.gather [hbm4b:s10+s12], $0x1, s16, s12, $0xb8;
	[tilespmem:$0x1080] =	vst v63  }
0x2e: {  	s18 =	simm.s32 $0x700;
	s14 =	simm.s32 $0xF00  }
0x2f: {  	[tilespmem:s14], [sflag:$0x5] =	stream.indirect.gather [hbm4b:s9+s12], $0x1, s18, s12, $0xb8;
	[tilespmem:$0x1080] =	vst v63  }
0x30: {  	s19 =	simm.s32 $0x380;
	s20 =	simm.s32 $0xB80  }
0x31: {  	[tilespmem:s20], [sflag:$0x5] =	stream.indirect.gather [hbm4b:s10+s12], $0x1, s19, s12, $0xb8;
	[tilespmem:$0x1080] =	vst v63  }
0x32: {  	s21 =	simm.s32 $0x780;
	s22 =	simm.s32 $0xF80  }
0x33: {  	[tilespmem:s22], [sflag:$0x5] =	stream.indirect.gather [hbm4b:s9+s12], $0x1, s21, s12, $0xb8;
	[tilespmem:$0x1080] =	vst v63  }
0x34: {  	_ =	swait.ge [sflag:s11], $0x80  }
0x35: {  	[sflag:s11] =	ssyncset.done $0x0  }
0x36: {  	s23 =	simm.s32 $0x2;
	[sflag:s11] =	ssyncadd.s32 $0xFFFFFF80  }
0x37: {  	v0 =	vld [tilespmem:$0x1000];
	_ =	swait.ge [sflag:s23], $0x80  }
0x38: {  	[sflag:s23] =	ssyncset.done $0x0  }
0x39: {  	[sflag:s23] =	ssyncadd.s32 $0xFFFFFF80  }
0x3a: {  	_ =	swait.ge [sflag:s23], $0x80  }
0x3b: {  	[sflag:s23] =	ssyncset.done $0x0  }
0x3c: {  	[sflag:s23] =	ssyncadd.s32 $0xFFFFFF80  }
0x3d: {  	_ =	swait.ge [sflag:s23], $0x80  }
0x3e: {  	[sflag:s23] =	ssyncset.done $0x0  }
0x3f: {  	[sflag:s23] =	ssyncadd.s32 $0xFFFFFF80  }
0x40: {  	_ =	swait.ge [sflag:s23], $0x80  }
0x41: {  	[sflag:s23] =	ssyncset.done $0x0  }
0x42: {  	[sflag:s23] =	ssyncadd.s32 $0xFFFFFF80  }
0x43: {  	v1 =	vld [tilespmem:$0x800]  }
0x44: {  	v2 =	vld [tilespmem:$0xC00]  }
0x45: {  	v3 =	vld [tilespmem:$0x810]  }
0x46: {  	v4 =	vld [tilespmem:$0xC10]  }
0x47: {  	v5 =	vld [tilespmem:$0x820]  }
0x48: {  	v6 =	vld [tilespmem:$0xC20]  }
0x49: {  	v7 =	vld [tilespmem:$0x830]  }
0x4a: {  	v8 =	vld [tilespmem:$0xC30]  }
0x4b: {  	v9 =	vld [tilespmem:$0x840]  }
0x4c: {  	v10 =	vld [tilespmem:$0xC40]  }
0x4d: {  	v11 =	vld [tilespmem:$0x850]  }
0x4e: {  	v12 =	vld [tilespmem:$0xC50]  }
0x4f: {  	v13 =	vld [tilespmem:$0x860]  }
0x50: {  	v14 =	vld [tilespmem:$0xC60]  }
0x51: {  	v15 =	vld [tilespmem:$0x870]  }
0x52: {  	v16 =	vld [tilespmem:$0xC70]  }
0x53: {  	v17 =	vld [tilespmem:$0x880]  }
0x54: {  	v18 =	vld [tilespmem:$0xC80]  }
0x55: {  	v19 =	vld [tilespmem:$0x890]  }
0x56: {  	v20 =	vld [tilespmem:$0xC90]  }
0x57: {  	v21 =	vld [tilespmem:$0x8A0]  }
0x58: {  	v41 =	vld [tilespmem:$0xCA0];
	v1 =	vadd.f32 v2, v1  }
0x59: {  	v42 =	vld [tilespmem:$0x8B0];
	v3 =	vadd.f32 v4, v3  }
0x5a: {  	v43 =	vld [tilespmem:$0xCB0];
	v5 =	vadd.f32 v6, v5;
	v1 =	vadd.f32 v1, v0  }
0x5b: {  	v44 =	vld [tilespmem:$0x8C0];
	v7 =	vadd.f32 v8, v7;
	v3 =	vadd.f32 v3, v0  }
0x5c: {  	v47 =	vld [tilespmem:$0xCC0];
	v46 =	vadd.f32 v10, v9;
	v45 =	vadd.f32 v5, v0;
	[tilespmem:$0x800] =	vst v1  }
0x5d: {  	v50 =	vld [tilespmem:$0x8D0];
	v49 =	vadd.f32 v12, v11;
	v48 =	vadd.f32 v7, v0;
	[tilespmem:$0x810] =	vst v3  }
0x5e: {  	v53 =	vld [tilespmem:$0xCD0];
	v52 =	vadd.f32 v14, v13;
	v51 =	vadd.f32 v46, v0;
	[tilespmem:$0x820] =	vst v45  }
0x5f: {  	v56 =	vld [tilespmem:$0x8E0];
	v55 =	vadd.f32 v16, v15;
	v54 =	vadd.f32 v49, v0;
	[tilespmem:$0x830] =	vst v48  }
0x60: {  	v59 =	vld [tilespmem:$0xCE0];
	v58 =	vadd.f32 v18, v17;
	v57 =	vadd.f32 v52, v0;
	[tilespmem:$0x840] =	vst v51  }
0x61: {  	v62 =	vld [tilespmem:$0x8F0];
	v61 =	vadd.f32 v20, v19;
	v60 =	vadd.f32 v55, v0;
	[tilespmem:$0x850] =	vst v54  }
0x62: {  	v2 =	vadd.f32 v41, v21;
	v15 =	vld [tilespmem:$0xCF0];
	v63 =	vadd.f32 v58, v0;
	[tilespmem:$0x860] =	vst v57  }
0x63: {  	v4 =	vadd.f32 v43, v42;
	v16 =	vadd.f32 v61, v0;
	[tilespmem:$0x870] =	vst v60  }
0x64: {  	v18 =	vadd.f32 v47, v44;
	v17 =	vadd.f32 v2, v0;
	[tilespmem:$0x880] =	vst v63  }
0x65: {  	v20 =	vadd.f32 v53, v50;
	v19 =	vadd.f32 v4, v0;
	[tilespmem:$0x890] =	vst v16  }
0x66: {  	v22 =	vadd.f32 v59, v56;
	v21 =	vadd.f32 v18, v0;
	[tilespmem:$0x8A0] =	vst v17  }
0x67: {  	v23 =	vadd.f32 v20, v0;
	[tilespmem:$0x8B0] =	vst v19;
	v24 =	vadd.f32 v15, v62  }
0x68: {  	v25 =	vadd.f32 v22, v0;
	[tilespmem:$0x8C0] =	vst v21  }
0x69: {  	[tilespmem:$0x8D0] =	vst v23;
	v26 =	vadd.f32 v24, v0  }
0x6a: {  	[tilespmem:$0x8E0] =	vst v25  }
0x6b: {  	s5 =	sadd.s32 s5, s7;
	s24 =	simm.s32 $0x3;
	[tilespmem:$0x8F0] =	vst v26  }
0x6c: {  	[hbm4b:s5+s2] =	stream.linear.scatter [tilespmem:s8], [sflag:$0x6], $0x100, $0x38;
	[tilespmem:$0x1080] =	vst v63  }
0x6d: {  	_ =	swait.ge [sflag:s24], $0x80  }
0x6e: {  	[sflag:s24] =	ssyncset.done $0x0  }
0x6f: {  	[sflag:s24] =	ssyncadd.s32 $0xFFFFFF80  }
0x70: {  	_ =	swait.ge [sflag:s24], $0x80  }
0x71: {  	[sflag:s24] =	ssyncset.done $0x0  }
0x72: {  	[sflag:s24] =	ssyncadd.s32 $0xFFFFFF80  }
0x73: {  	_ =	swait.ge [sflag:s24], $0x80  }
0x74: {  	[sflag:s24] =	ssyncset.done $0x0  }
0x75: {  	[sflag:s24] =	ssyncadd.s32 $0xFFFFFF80  }
0x76: {  	_ =	swait.ge [sflag:s24], $0x80  }
0x77: {  	[sflag:s24] =	ssyncset.done $0x0  }
0x78: {  	[sflag:s24] =	ssyncadd.s32 $0xFFFFFF80  }
0x79: {  	v27 =	vld [tilespmem:$0x900]  }
0x7a: {  	v28 =	vld [tilespmem:$0xD00]  }
0x7b: {  	v29 =	vld [tilespmem:$0x910]  }
0x7c: {  	v30 =	vld [tilespmem:$0xD10]  }
0x7d: {  	v31 =	vld [tilespmem:$0x920]  }
0x7e: {  	v32 =	vld [tilespmem:$0xD20]  }
0x7f: {  	v33 =	vld [tilespmem:$0x930]  }
0x80: {  	v34 =	vld [tilespmem:$0xD30]  }
0x81: {  	v35 =	vld [tilespmem:$0x940]  }
0x82: {  	v36 =	vld [tilespmem:$0xD40]  }
0x83: {  	v37 =	vld [tilespmem:$0x950]  }
0x84: {  	v38 =	vld [tilespmem:$0xD50]  }
0x85: {  	v39 =	vld [tilespmem:$0x960]  }
0x86: {  	v40 =	vld [tilespmem:$0xD60]  }
0x87: {  	v41 =	vld [tilespmem:$0x970]  }
0x88: {  	v42 =	vld [tilespmem:$0xD70]  }
0x89: {  	v43 =	vld [tilespmem:$0x980]  }
0x8a: {  	v44 =	vld [tilespmem:$0xD80]  }
0x8b: {  	v45 =	vld [tilespmem:$0x990]  }
0x8c: {  	v46 =	vld [tilespmem:$0xD90]  }
0x8d: {  	v47 =	vld [tilespmem:$0x9A0]  }
0x8e: {  	v48 =	vld [tilespmem:$0xDA0];
	v1 =	vadd.f32 v28, v27  }
0x8f: {  	v49 =	vld [tilespmem:$0x9B0];
	v3 =	vadd.f32 v30, v29  }
0x90: {  	v50 =	vld [tilespmem:$0xDB0];
	v5 =	vadd.f32 v32, v31;
	v1 =	vadd.f32 v1, v0  }
0x91: {  	v51 =	vld [tilespmem:$0x9C0];
	v7 =	vadd.f32 v34, v33;
	v3 =	vadd.f32 v3, v0  }
0x92: {  	v54 =	vld [tilespmem:$0xDC0];
	v53 =	vadd.f32 v36, v35;
	v52 =	vadd.f32 v5, v0;
	[tilespmem:$0x900] =	vst v1  }
0x93: {  	v57 =	vld [tilespmem:$0x9D0];
	v56 =	vadd.f32 v38, v37;
	v55 =	vadd.f32 v7, v0;
	[tilespmem:$0x910] =	vst v3  }
0x94: {  	v60 =	vld [tilespmem:$0xDD0];
	v59 =	vadd.f32 v40, v39;
	v58 =	vadd.f32 v53, v0;
	[tilespmem:$0x920] =	vst v52  }
0x95: {  	v63 =	vld [tilespmem:$0x9E0];
	v62 =	vadd.f32 v42, v41;
	v61 =	vadd.f32 v56, v0;
	[tilespmem:$0x930] =	vst v55  }
0x96: {  	v18 =	vld [tilespmem:$0xDE0];
	v17 =	vadd.f32 v44, v43;
	v16 =	vadd.f32 v59, v0;
	[tilespmem:$0x940] =	vst v58  }
0x97: {  	v24 =	vld [tilespmem:$0x9F0];
	v23 =	vadd.f32 v46, v45;
	v22 =	vadd.f32 v62, v0;
	[tilespmem:$0x950] =	vst v61  }
0x98: {  	v26 =	vld [tilespmem:$0xDF0];
	v2 =	vadd.f32 v48, v47;
	v25 =	vadd.f32 v17, v0;
	[tilespmem:$0x960] =	vst v16  }
0x99: {  	v4 =	vadd.f32 v50, v49;
	v27 =	vadd.f32 v23, v0;
	[tilespmem:$0x970] =	vst v22  }
0x9a: {  	v29 =	vadd.f32 v54, v51;
	v28 =	vadd.f32 v2, v0;
	[tilespmem:$0x980] =	vst v25  }
0x9b: {  	v31 =	vadd.f32 v60, v57;
	v30 =	vadd.f32 v4, v0;
	[tilespmem:$0x990] =	vst v27  }
0x9c: {  	v33 =	vadd.f32 v18, v63;
	v32 =	vadd.f32 v29, v0;
	[tilespmem:$0x9A0] =	vst v28  }
0x9d: {  	v35 =	vadd.f32 v26, v24;
	v34 =	vadd.f32 v31, v0;
	[tilespmem:$0x9B0] =	vst v30  }
0x9e: {  	v36 =	vadd.f32 v33, v0;
	[tilespmem:$0x9C0] =	vst v32  }
0x9f: {  	v37 =	vadd.f32 v35, v0;
	[tilespmem:$0x9D0] =	vst v34  }
0xa0: {  	[tilespmem:$0x9E0] =	vst v36  }
0xa1: {  	s25 =	sadd.s32 $0x20, s5;
	s26 =	simm.s32 $0x4;
	[tilespmem:$0x9F0] =	vst v37  }
0xa2: {  	[hbm4b:s25+s2] =	stream.linear.scatter [tilespmem:s6], [sflag:$0x6], $0x100, $0x38;
	[tilespmem:$0x1080] =	vst v63  }
0xa3: {  	_ =	swait.ge [sflag:s26], $0x80  }
0xa4: {  	[sflag:s26] =	ssyncset.done $0x0  }
0xa5: {  	[sflag:s26] =	ssyncadd.s32 $0xFFFFFF80  }
0xa6: {  	_ =	swait.ge [sflag:s26], $0x80  }
0xa7: {  	[sflag:s26] =	ssyncset.done $0x0  }
0xa8: {  	[sflag:s26] =	ssyncadd.s32 $0xFFFFFF80  }
0xa9: {  	_ =	swait.ge [sflag:s26], $0x80  }
0xaa: {  	[sflag:s26] =	ssyncset.done $0x0  }
0xab: {  	[sflag:s26] =	ssyncadd.s32 $0xFFFFFF80  }
0xac: {  	_ =	swait.ge [sflag:s26], $0x80  }
0xad: {  	[sflag:s26] =	ssyncset.done $0x0  }
0xae: {  	[sflag:s26] =	ssyncadd.s32 $0xFFFFFF80  }
0xaf: {  	v38 =	vld [tilespmem:$0xA00]  }
0xb0: {  	v39 =	vld [tilespmem:$0xE00]  }
0xb1: {  	v40 =	vld [tilespmem:$0xA10]  }
0xb2: {  	v41 =	vld [tilespmem:$0xE10]  }
0xb3: {  	v42 =	vld [tilespmem:$0xA20]  }
0xb4: {  	v43 =	vld [tilespmem:$0xE20]  }
0xb5: {  	v44 =	vld [tilespmem:$0xA30]  }
0xb6: {  	v45 =	vld [tilespmem:$0xE30]  }
0xb7: {  	v46 =	vld [tilespmem:$0xA40]  }
0xb8: {  	v47 =	vld [tilespmem:$0xE40]  }
0xb9: {  	v48 =	vld [tilespmem:$0xA50]  }
0xba: {  	v49 =	vld [tilespmem:$0xE50]  }
0xbb: {  	v50 =	vld [tilespmem:$0xA60]  }
0xbc: {  	v51 =	vld [tilespmem:$0xE60]  }
0xbd: {  	v52 =	vld [tilespmem:$0xA70]  }
0xbe: {  	v53 =	vld [tilespmem:$0xE70]  }
0xbf: {  	v54 =	vld [tilespmem:$0xA80]  }
0xc0: {  	v55 =	vld [tilespmem:$0xE80]  }
0xc1: {  	v56 =	vld [tilespmem:$0xA90]  }
0xc2: {  	v57 =	vld [tilespmem:$0xE90]  }
0xc3: {  	v58 =	vld [tilespmem:$0xAA0]  }
0xc4: {  	v59 =	vld [tilespmem:$0xEA0];
	v1 =	vadd.f32 v39, v38  }
0xc5: {  	v60 =	vld [tilespmem:$0xAB0];
	v3 =	vadd.f32 v41, v40  }
0xc6: {  	v61 =	vld [tilespmem:$0xEB0];
	v5 =	vadd.f32 v43, v42;
	v1 =	vadd.f32 v1, v0  }
0xc7: {  	v62 =	vld [tilespmem:$0xAC0];
	v7 =	vadd.f32 v45, v44;
	v3 =	vadd.f32 v3, v0  }
0xc8: {  	v23 =	vld [tilespmem:$0xEC0];
	v22 =	vadd.f32 v47, v46;
	v63 =	vadd.f32 v5, v0;
	[tilespmem:$0xA00] =	vst v1  }
0xc9: {  	v26 =	vld [tilespmem:$0xAD0];
	v25 =	vadd.f32 v49, v48;
	v24 =	vadd.f32 v7, v0;
	[tilespmem:$0xA10] =	vst v3  }
0xca: {  	v29 =	vld [tilespmem:$0xED0];
	v28 =	vadd.f32 v51, v50;
	v27 =	vadd.f32 v22, v0;
	[tilespmem:$0xA20] =	vst v63  }
0xcb: {  	v32 =	vld [tilespmem:$0xAE0];
	v31 =	vadd.f32 v53, v52;
	v30 =	vadd.f32 v25, v0;
	[tilespmem:$0xA30] =	vst v24  }
0xcc: {  	v35 =	vld [tilespmem:$0xEE0];
	v34 =	vadd.f32 v55, v54;
	v33 =	vadd.f32 v28, v0;
	[tilespmem:$0xA40] =	vst v27  }
0xcd: {  	v37 =	vadd.f32 v57, v56;
	v38 =	vld [tilespmem:$0xAF0];
	v36 =	vadd.f32 v31, v0;
	[tilespmem:$0xA50] =	vst v30  }
0xce: {  	v2 =	vadd.f32 v59, v58;
	v40 =	vld [tilespmem:$0xEF0];
	v39 =	vadd.f32 v34, v0;
	[tilespmem:$0xA60] =	vst v33  }
0xcf: {  	v4 =	vadd.f32 v61, v60;
	v41 =	vadd.f32 v37, v0;
	[tilespmem:$0xA70] =	vst v36  }
0xd0: {  	v43 =	vadd.f32 v23, v62;
	v42 =	vadd.f32 v2, v0;
	[tilespmem:$0xA80] =	vst v39  }
0xd1: {  	v45 =	vadd.f32 v29, v26;
	v44 =	vadd.f32 v4, v0;
	[tilespmem:$0xA90] =	vst v41  }
0xd2: {  	v47 =	vadd.f32 v35, v32;
	v46 =	vadd.f32 v43, v0;
	[tilespmem:$0xAA0] =	vst v42  }
0xd3: {  	v48 =	vadd.f32 v45, v0;
	[tilespmem:$0xAB0] =	vst v44;
	v49 =	vadd.f32 v40, v38  }
0xd4: {  	v50 =	vadd.f32 v47, v0;
	[tilespmem:$0xAC0] =	vst v46  }
0xd5: {  	[tilespmem:$0xAD0] =	vst v48;
	v51 =	vadd.f32 v49, v0  }
0xd6: {  	[tilespmem:$0xAE0] =	vst v50  }
0xd7: {  	s28 =	sadd.s32 $0x40, s5;
	s29 =	simm.s32 $0x5;
	[tilespmem:$0xAF0] =	vst v51  }
0xd8: {  	[hbm4b:s28+s2] =	stream.linear.scatter [tilespmem:s4], [sflag:$0x6], $0x100, $0x38;
	[tilespmem:$0x1080] =	vst v63  }
0xd9: {  	_ =	swait.ge [sflag:s29], $0x80  }
0xda: {  	[sflag:s29] =	ssyncset.done $0x0  }
0xdb: {  	[sflag:s29] =	ssyncadd.s32 $0xFFFFFF80  }
0xdc: {  	_ =	swait.ge [sflag:s29], $0x80  }
0xdd: {  	[sflag:s29] =	ssyncset.done $0x0  }
0xde: {  	[sflag:s29] =	ssyncadd.s32 $0xFFFFFF80  }
0xdf: {  	_ =	swait.ge [sflag:s29], $0x80  }
0xe0: {  	[sflag:s29] =	ssyncset.done $0x0  }
0xe1: {  	[sflag:s29] =	ssyncadd.s32 $0xFFFFFF80  }
0xe2: {  	_ =	swait.ge [sflag:s29], $0x80  }
0xe3: {  	[sflag:s29] =	ssyncset.done $0x0  }
0xe4: {  	[sflag:s29] =	ssyncadd.s32 $0xFFFFFF80  }
0xe5: {  	v52 =	vld [tilespmem:$0xB00]  }
0xe6: {  	v53 =	vld [tilespmem:$0xF00]  }
0xe7: {  	v54 =	vld [tilespmem:$0xB10]  }
0xe8: {  	v55 =	vld [tilespmem:$0xF10]  }
0xe9: {  	v56 =	vld [tilespmem:$0xB20]  }
0xea: {  	v57 =	vld [tilespmem:$0xF20]  }
0xeb: {  	v58 =	vld [tilespmem:$0xB30]  }
0xec: {  	v59 =	vld [tilespmem:$0xF30]  }
0xed: {  	v60 =	vld [tilespmem:$0xB40]  }
0xee: {  	v61 =	vld [tilespmem:$0xF40]  }
0xef: {  	v62 =	vld [tilespmem:$0xB50]  }
0xf0: {  	v63 =	vld [tilespmem:$0xF50]  }
0xf1: {  	v24 =	vld [tilespmem:$0xB60]  }
0xf2: {  	v25 =	vld [tilespmem:$0xF60]  }
0xf3: {  	v26 =	vld [tilespmem:$0xB70]  }
0xf4: {  	v27 =	vld [tilespmem:$0xF70]  }
0xf5: {  	v28 =	vld [tilespmem:$0xB80]  }
0xf6: {  	v29 =	vld [tilespmem:$0xF80]  }
0xf7: {  	v30 =	vld [tilespmem:$0xB90]  }
0xf8: {  	v31 =	vld [tilespmem:$0xF90]  }
0xf9: {  	v32 =	vld [tilespmem:$0xBA0]  }
0xfa: {  	v33 =	vld [tilespmem:$0xFA0];
	v1 =	vadd.f32 v53, v52  }
0xfb: {  	v34 =	vld [tilespmem:$0xBB0];
	v3 =	vadd.f32 v55, v54  }
0xfc: {  	v35 =	vld [tilespmem:$0xFB0];
	v5 =	vadd.f32 v57, v56;
	v1 =	vadd.f32 v1, v0  }
0xfd: {  	v36 =	vld [tilespmem:$0xBC0];
	v7 =	vadd.f32 v59, v58;
	v3 =	vadd.f32 v3, v0  }
0xfe: {  	v42 =	vld [tilespmem:$0xBD0];
	v38 =	vadd.f32 v61, v60;
	v37 =	vadd.f32 v5, v0;
	[tilespmem:$0xB00] =	vst v1  }
0xff: {  	v45 =	vld [tilespmem:$0xFD0];
	v41 =	vadd.f32 v63, v62;
	v40 =	vadd.f32 v7, v0;
	[tilespmem:$0xB10] =	vst v3  }
0x100: {  	v48 =	vld [tilespmem:$0xBE0];
	v44 =	vadd.f32 v25, v24;
	v43 =	vadd.f32 v38, v0;
	[tilespmem:$0xB20] =	vst v37  }
0x101: {  	v51 =	vld [tilespmem:$0xFE0];
	v47 =	vadd.f32 v27, v26;
	v46 =	vadd.f32 v41, v0;
	[tilespmem:$0xB30] =	vst v40  }
0x102: {  	v39 =	vld [tilespmem:$0xFC0];
	v50 =	vadd.f32 v29, v28;
	v49 =	vadd.f32 v44, v0;
	[tilespmem:$0xB40] =	vst v43  }
0x103: {  	v53 =	vadd.f32 v31, v30;
	v54 =	vld [tilespmem:$0xBF0];
	v52 =	vadd.f32 v47, v0;
	[tilespmem:$0xB50] =	vst v46  }
0x104: {  	v2 =	vadd.f32 v33, v32;
	v56 =	vld [tilespmem:$0xFF0];
	v55 =	vadd.f32 v50, v0;
	[tilespmem:$0xB60] =	vst v49  }
0x105: {  	v60 =	vadd.f32 v45, v42;
	v58 =	vadd.f32 v53, v0;
	[tilespmem:$0xB70] =	vst v52  }
0x106: {  	v61 =	vadd.f32 v51, v48;
	v2 =	vadd.f32 v2, v0;
	[tilespmem:$0xB80] =	vst v55  }
0x107: {  	v57 =	vadd.f32 v35, v34;
	v4 =	vadd.f32 v60, v0;
	[tilespmem:$0xB90] =	vst v58  }
0x108: {  	v59 =	vadd.f32 v39, v36;
	v63 =	vadd.f32 v61, v0;
	[tilespmem:$0xBA0] =	vst v2  }
0x109: {  	v3 =	vadd.f32 v57, v0;
	[tilespmem:$0xBD0] =	vst v4;
	v62 =	vadd.f32 v56, v54  }
0x10a: {  	v1 =	vadd.f32 v59, v0;
	[tilespmem:$0xBE0] =	vst v63  }
0x10b: {  	[tilespmem:$0xBB0] =	vst v3;
	v0 =	vadd.f32 v62, v0  }
0x10c: {  	[tilespmem:$0xBC0] =	vst v1  }
0x10d: {  	s30 =	sadd.s32 $0x60, s5;
	s31 =	simm.s32 $0x6;
	[tilespmem:$0xBF0] =	vst v0  }
0x10e: {  	[hbm4b:s30+s2] =	stream.linear.scatter [tilespmem:s17], [sflag:$0x6], $0x100, $0x38;
	[tilespmem:$0x1080] =	vst v63  }
0x10f: {  	_ =	swait.ge [sflag:s31], $0x100  }
0x110: {  	[sflag:s31] =	ssyncset.done $0x0  }
0x111: {  	[sflag:s31] =	ssyncadd.s32 $0xFFFFFF00  }
0x112: {  	_ =	swait.ge [sflag:s31], $0x100  }
0x113: {  	[sflag:s31] =	ssyncset.done $0x0  }
0x114: {  	[sflag:s31] =	ssyncadd.s32 $0xFFFFFF00  }
0x115: {  	_ =	swait.ge [sflag:s31], $0x100  }
0x116: {  	[sflag:s31] =	ssyncset.done $0x0  }
0x117: {  	[sflag:s31] =	ssyncadd.s32 $0xFFFFFF00  }
0x118: {  	_ =	swait.ge [sflag:s31], $0x100  }
0x119: {  	[sflag:s31] =	ssyncset.done $0x0  }
0x11a: {  	[sflag:s31] =	ssyncadd.s32 $0xFFFFFF00  }
0x11b: {  	_ =	sfence.sel $0x180000  }
0x11c: {  	[bflag:$0x0] =	sbarrier.arrive $0xFFFF  }
0x11d: {  	p0 =	sne.s32 s1, $0x0;
	_ =	strace $0x90000047  }
0x11e: {  	s0 =	sadd.s32 @!p0 $0x100000, s0;
	[bflag:$0x2] =	sbarrier.arrive $0xFFFF  }
0x11f: {  	[sflag:s0] =	ssyncadd.tile.s32 @!p0 $0x1;
	_ =	shalt  }
.Lfunc_end2:
_tile_overlayer_lowered:
.L_overlay_start_2:
0x120: {  	(tag) =	ssettag $0x2  }
0x121: {  	s0 =	rddreg [dreg:$0x0];
	s2 =	stileid.u32  }
0x122: {  	s1 =	rddreg [dreg:$0x1];
	p0 =	sne.s32 s2, $0x0  }
0x123: {  	s3 =	rddreg [dreg:$0x2];
	[bflag:$0x3] =	sbarrier.arrive $0xFFFF;
	s2 =	simm.s32 @!p0 $0x1C07  }
0x124: {  	[timem:s3], [sflag:s2] =	dma.local @!p0 [hbm:s0], s1  }
0x125: {  	s0 =	simm.s32 @!p0 $0x7  }
0x126: {  	_ =	swait.ge @!p0 [sflag:s0], s1  }
0x127: {  	s1 =	ssub.s32 @!p0 $0x0, s1;
	[sflag:s0] =	ssyncset.done @!p0 $0x0  }
0x128: {  	[sflag:s0] =	ssyncadd.s32 @!p0 s1  }
0x129: {  	[bflag:$0x3] =	sbarrier.arrive $0xFFFF  }
0x12a: {  	_ =	shalt  }

</sc_bundles>
